<compile_context>
chip_gen: v7x
topology: tpu7x:2x2x1
jax: 0.10.2.dev20260603
libtpu: 0.0.44.dev20260713+nightly
codegen_flags: <defaults>
</compile_context>

<pallas_src>
import functools

import jax
import jax.numpy as jnp
from jax import lax
from jax.experimental import pallas as pl
from jax.experimental.pallas import tpu as pltpu
from jax.experimental.pallas import tpu_sc as plsc

_D = 128
_SEQ = 512
_NROWS = 65
_NW = 32
_ROWS_PER_W = _SEQ // _NW
_G_PAD = 1024
_STRIPE = _G_PAD // 16


def _sc_body(table_hbm, out_hbm, tbl_v, stripe_v, g_sh, gsem, osem):
    cid = lax.axis_index("c")
    sid = lax.axis_index("s")
    t0 = _STRIPE * sid
    pltpu.async_copy(table_hbm, tbl_v, gsem).wait()
    half = _STRIPE // 2

    def _build_row(m, _):
        r = jnp.clip(511 - (t0 + m), -32, 32) + 32
        for q in range(_D // 16):
            stripe_v[m, pl.ds(q * 16, 16)] = tbl_v[r, pl.ds(q * 16, 16)]
        return _

    lax.fori_loop(0, half, _build_row, None)
    first = pltpu.async_copy(
        stripe_v.at[pl.ds(0, half)], g_sh.at[pl.ds(t0, half)], gsem
    )
    lax.fori_loop(half, _STRIPE, _build_row, None)
    second = pltpu.async_copy(
        stripe_v.at[pl.ds(half, half)], g_sh.at[pl.ds(t0 + half, half)], gsem
    )
    first.wait()
    second.wait()
    plsc.subcore_barrier()

    wid = cid * 16 + sid
    base = wid * _ROWS_PER_W
    copies = []
    for k in range(_ROWS_PER_W):
        copies.append(
            pltpu.async_copy(
                g_sh.at[pl.ds(511 - (base + k), _SEQ)],
                out_hbm.at[pl.ds((base + k) * _SEQ, _SEQ)],
                osem,
            )
        )
    for c in copies:
        c.wait()


@jax.jit
def _rel_pos_sc(table):
    mesh = plsc.VectorSubcoreMesh(core_axis_name="c", subcore_axis_name="s")
    fn = functools.partial(
        pl.kernel,
        out_type=jax.ShapeDtypeStruct((_SEQ * _SEQ, _D), jnp.float32),
        mesh=mesh,
        scratch_types=[
            pltpu.VMEM((_NROWS, _D), jnp.float32),
            pltpu.VMEM((_STRIPE, _D), jnp.float32),
            pltpu.VMEM_SHARED((_G_PAD, _D), jnp.float32),
            pltpu.SemaphoreType.DMA,
            pltpu.SemaphoreType.DMA,
        ],
    )(_sc_body)
    return fn(table)


def kernel(seq_len, table):
    out = _rel_pos_sc(table)
    return out.reshape(_SEQ, _SEQ, _D)

# --- scband reference (transcript-rebuilt; emitter-appended) ---
"""Pipeline reference for scband-relative-position-encoding-73942156968635 (READ-ONLY COPY).

The authoritative reference and input builder live on the scoring server;
editing this copy changes nothing except your own understanding.
"""

import jax, jax.numpy as jnp
import numpy as np

D_MODEL = 128
MAX_REL = 32
SEQ_LEN = 512

def setup_inputs(seed: int = 0) -> dict:
    key = jax.random.key(seed)
    table = jax.random.normal(key, (2 * MAX_REL + 1, D_MODEL), dtype=jnp.float32)
    return {"seq_len": 512, "table": table}

def reference(seq_len, table):
    seq_len = jnp.asarray(seq_len, dtype=jnp.int32)
    positions = jnp.arange(SEQ_LEN, dtype=jnp.int32) + (seq_len - seq_len)
    relative_positions = positions[:, None] - positions[None, :]
    relative_positions = jnp.clip(relative_positions, -MAX_REL, MAX_REL)
    relative_positions = relative_positions + MAX_REL
    return jnp.take(table, relative_positions, axis=0)

if __name__ == "__main__":
    import jax
    _d = setup_inputs()
    print(jax.jit(kernel)(*tuple(_d.values())))

</pallas_src>

<mosaic_0001>
#map = affine_map<(d0, d1) -> (0, 0)>
module attributes {stable_mosaic.version = 14 : i64} {
  func.func @_sc_body(%arg0: i32, %arg1: i32, %arg2: memref<65x128xf32, #tpu.memory_space<hbm>>, %arg3: memref<262144x128xf32, #tpu.memory_space<hbm>>, %arg4: memref<65x128xf32, #tpu.memory_space<vmem>>, %arg5: memref<64x128xf32, #tpu.memory_space<vmem>>, %arg6: memref<1024x128xf32, #tpu.memory_space<vmem_shared>>, %arg7: memref<!tpu.dma_semaphore, #tpu.memory_space<semaphore_mem>>, %arg8: memref<!tpu.dma_semaphore, #tpu.memory_space<semaphore_mem>>) attributes {dimension_semantics = [#tpu.dimension_semantics<core_parallel>, #tpu.dimension_semantics<subcore_parallel>], iteration_bounds = array<i64: 2, 16>, scalar_prefetch = 0 : i64, scratch_operands = 5 : i64, tpu.core_type = #tpu.core_type<sc_vector_subcore>, window_params = [{transform_indices = #map}, {transform_indices = #map}]} {
    %mul3A = arith.constant 64 : i32
    %mul3A_0 = arith.muli %mul3A, %arg1 : i32
    tpu.enqueue_dma source(%arg2 : memref<65x128xf32, #tpu.memory_space<hbm>>) target(%arg4 : memref<65x128xf32, #tpu.memory_space<vmem>>) target_semaphore(%arg7 : memref<!tpu.dma_semaphore, #tpu.memory_space<semaphore_mem>>)
    tpu.wait_dma2 semaphore(%arg7 : memref<!tpu.dma_semaphore, #tpu.memory_space<semaphore_mem>>) src(%arg2 : memref<65x128xf32, #tpu.memory_space<hbm>>) dst(%arg4 : memref<65x128xf32, #tpu.memory_space<vmem>>)
    %scan3A = arith.constant 0 : i32
    %scan3A_1 = arith.constant 32 : i32
    %scan3A_2 = arith.addi %scan3A, %scan3A_1 : i32
    %scan3A_3 = arith.constant 1 : i32
    scf.for %scan3A_309 = %scan3A to %scan3A_2 step %scan3A_3  : i32 {
      %add3A_310 = arith.addi %mul3A_0, %scan3A_309 : i32
      %sub3A_311 = arith.constant 511 : i32
      %sub3A_312 = arith.subi %sub3A_311, %add3A_310 : i32
      %jit3A = arith.constant -32 : i32
      %jit3A_313 = arith.constant 32 : i32
      %max3A = arith.maxsi %jit3A, %sub3A_312 : i32
      %min3A = arith.minsi %jit3A_313, %max3A : i32
      %add3A_314 = arith.constant 32 : i32
      %add3A_315 = arith.addi %min3A, %add3A_314 : i32
      %get3A = arith.index_cast %add3A_315 : i32 to index
      %get3A_316 = arith.constant 0 : index
      %get3A_317 = tpu.vector_load %arg4[%get3A, %get3A_316] {strides = array<i32>} : memref<65x128xf32, #tpu.memory_space<vmem>>, vector<1x16xf32>,
      %get3A_318 = vector.shape_cast %get3A_317 : vector<1x16xf32> to vector<16xf32>
      %swap3A = arith.index_cast %scan3A_309 : i32 to index
      %swap3A_319 = arith.constant 0 : index
      %swap3A_320 = tpu.vector_load %arg5[%swap3A, %swap3A_319] {strides = array<i32>} : memref<64x128xf32, #tpu.memory_space<vmem>>, vector<1x16xf32>,
      %swap3A_321 = vector.shape_cast %swap3A_320 : vector<1x16xf32> to vector<16xf32>
      %swap3A_322 = vector.shape_cast %get3A_318 : vector<16xf32> to vector<1x16xf32>
      tpu.vector_store %arg5[%swap3A, %swap3A_319], %swap3A_322 {strides = array<i32>} : memref<64x128xf32, #tpu.memory_space<vmem>>, vector<1x16xf32>,
      %get3A_323 = arith.index_cast %add3A_315 : i32 to index
      %get3A_324 = arith.constant 16 : index
      %get3A_325 = tpu.vector_load %arg4[%get3A_323, %get3A_324] {strides = array<i32>} : memref<65x128xf32, #tpu.memory_space<vmem>>, vector<1x16xf32>,
      %get3A_326 = vector.shape_cast %get3A_325 : vector<1x16xf32> to vector<16xf32>
      %swap3A_327 = arith.index_cast %scan3A_309 : i32 to index
      %swap3A_328 = arith.constant 16 : index
      %swap3A_329 = tpu.vector_load %arg5[%swap3A_327, %swap3A_328] {strides = array<i32>} : memref<64x128xf32, #tpu.memory_space<vmem>>, vector<1x16xf32>,
      %swap3A_330 = vector.shape_cast %swap3A_329 : vector<1x16xf32> to vector<16xf32>
      %swap3A_331 = vector.shape_cast %get3A_326 : vector<16xf32> to vector<1x16xf32>
      tpu.vector_store %arg5[%swap3A_327, %swap3A_328], %swap3A_331 {strides = array<i32>} : memref<64x128xf32, #tpu.memory_space<vmem>>, vector<1x16xf32>,
      %get3A_332 = arith.index_cast %add3A_315 : i32 to index
      %get3A_333 = arith.constant 32 : index
      %get3A_334 = tpu.vector_load %arg4[%get3A_332, %get3A_333] {strides = array<i32>} : memref<65x128xf32, #tpu.memory_space<vmem>>, vector<1x16xf32>,
      %get3A_335 = vector.shape_cast %get3A_334 : vector<1x16xf32> to vector<16xf32>
      %swap3A_336 = arith.index_cast %scan3A_309 : i32 to index
      %swap3A_337 = arith.constant 32 : index
      %swap3A_338 = tpu.vector_load %arg5[%swap3A_336, %swap3A_337] {strides = array<i32>} : memref<64x128xf32, #tpu.memory_space<vmem>>, vector<1x16xf32>,
      %swap3A_339 = vector.shape_cast %swap3A_338 : vector<1x16xf32> to vector<16xf32>
      %swap3A_340 = vector.shape_cast %get3A_335 : vector<16xf32> to vector<1x16xf32>
      tpu.vector_store %arg5[%swap3A_336, %swap3A_337], %swap3A_340 {strides = array<i32>} : memref<64x128xf32, #tpu.memory_space<vmem>>, vector<1x16xf32>,
      %get3A_341 = arith.index_cast %add3A_315 : i32 to index
      %get3A_342 = arith.constant 48 : index
      %get3A_343 = tpu.vector_load %arg4[%get3A_341, %get3A_342] {strides = array<i32>} : memref<65x128xf32, #tpu.memory_space<vmem>>, vector<1x16xf32>,
      %get3A_344 = vector.shape_cast %get3A_343 : vector<1x16xf32> to vector<16xf32>
      %swap3A_345 = arith.index_cast %scan3A_309 : i32 to index
      %swap3A_346 = arith.constant 48 : index
      %swap3A_347 = tpu.vector_load %arg5[%swap3A_345, %swap3A_346] {strides = array<i32>} : memref<64x128xf32, #tpu.memory_space<vmem>>, vector<1x16xf32>,
      %swap3A_348 = vector.shape_cast %swap3A_347 : vector<1x16xf32> to vector<16xf32>
      %swap3A_349 = vector.shape_cast %get3A_344 : vector<16xf32> to vector<1x16xf32>
      tpu.vector_store %arg5[%swap3A_345, %swap3A_346], %swap3A_349 {strides = array<i32>} : memref<64x128xf32, #tpu.memory_space<vmem>>, vector<1x16xf32>,
      %get3A_350 = arith.index_cast %add3A_315 : i32 to index
      %get3A_351 = arith.constant 64 : index
      %get3A_352 = tpu.vector_load %arg4[%get3A_350, %get3A_351] {strides = array<i32>} : memref<65x128xf32, #tpu.memory_space<vmem>>, vector<1x16xf32>,
      %get3A_353 = vector.shape_cast %get3A_352 : vector<1x16xf32> to vector<16xf32>
      %swap3A_354 = arith.index_cast %scan3A_309 : i32 to index
      %swap3A_355 = arith.constant 64 : index
      %swap3A_356 = tpu.vector_load %arg5[%swap3A_354, %swap3A_355] {strides = array<i32>} : memref<64x128xf32, #tpu.memory_space<vmem>>, vector<1x16xf32>,
      %swap3A_357 = vector.shape_cast %swap3A_356 : vector<1x16xf32> to vector<16xf32>
      %swap3A_358 = vector.shape_cast %get3A_353 : vector<16xf32> to vector<1x16xf32>
      tpu.vector_store %arg5[%swap3A_354, %swap3A_355], %swap3A_358 {strides = array<i32>} : memref<64x128xf32, #tpu.memory_space<vmem>>, vector<1x16xf32>,
      %get3A_359 = arith.index_cast %add3A_315 : i32 to index
      %get3A_360 = arith.constant 80 : index
      %get3A_361 = tpu.vector_load %arg4[%get3A_359, %get3A_360] {strides = array<i32>} : memref<65x128xf32, #tpu.memory_space<vmem>>, vector<1x16xf32>,
      %get3A_362 = vector.shape_cast %get3A_361 : vector<1x16xf32> to vector<16xf32>
      %swap3A_363 = arith.index_cast %scan3A_309 : i32 to index
      %swap3A_364 = arith.constant 80 : index
      %swap3A_365 = tpu.vector_load %arg5[%swap3A_363, %swap3A_364] {strides = array<i32>} : memref<64x128xf32, #tpu.memory_space<vmem>>, vector<1x16xf32>,
      %swap3A_366 = vector.shape_cast %swap3A_365 : vector<1x16xf32> to vector<16xf32>
      %swap3A_367 = vector.shape_cast %get3A_362 : vector<16xf32> to vector<1x16xf32>
      tpu.vector_store %arg5[%swap3A_363, %swap3A_364], %swap3A_367 {strides = array<i32>} : memref<64x128xf32, #tpu.memory_space<vmem>>, vector<1x16xf32>,
      %get3A_368 = arith.index_cast %add3A_315 : i32 to index
      %get3A_369 = arith.constant 96 : index
      %get3A_370 = tpu.vector_load %arg4[%get3A_368, %get3A_369] {strides = array<i32>} : memref<65x128xf32, #tpu.memory_space<vmem>>, vector<1x16xf32>,
      %get3A_371 = vector.shape_cast %get3A_370 : vector<1x16xf32> to vector<16xf32>
      %swap3A_372 = arith.index_cast %scan3A_309 : i32 to index
      %swap3A_373 = arith.constant 96 : index
      %swap3A_374 = tpu.vector_load %arg5[%swap3A_372, %swap3A_373] {strides = array<i32>} : memref<64x128xf32, #tpu.memory_space<vmem>>, vector<1x16xf32>,
      %swap3A_375 = vector.shape_cast %swap3A_374 : vector<1x16xf32> to vector<16xf32>
      %swap3A_376 = vector.shape_cast %get3A_371 : vector<16xf32> to vector<1x16xf32>
      tpu.vector_store %arg5[%swap3A_372, %swap3A_373], %swap3A_376 {strides = array<i32>} : memref<64x128xf32, #tpu.memory_space<vmem>>, vector<1x16xf32>,
      %get3A_377 = arith.index_cast %add3A_315 : i32 to index
      %get3A_378 = arith.constant 112 : index
      %get3A_379 = tpu.vector_load %arg4[%get3A_377, %get3A_378] {strides = array<i32>} : memref<65x128xf32, #tpu.memory_space<vmem>>, vector<1x16xf32>,
      %get3A_380 = vector.shape_cast %get3A_379 : vector<1x16xf32> to vector<16xf32>
      %swap3A_381 = arith.index_cast %scan3A_309 : i32 to index
      %swap3A_382 = arith.constant 112 : index
      %swap3A_383 = tpu.vector_load %arg5[%swap3A_381, %swap3A_382] {strides = array<i32>} : memref<64x128xf32, #tpu.memory_space<vmem>>, vector<1x16xf32>,
      %swap3A_384 = vector.shape_cast %swap3A_383 : vector<1x16xf32> to vector<16xf32>
      %swap3A_385 = vector.shape_cast %get3A_380 : vector<16xf32> to vector<1x16xf32>
      tpu.vector_store %arg5[%swap3A_381, %swap3A_382], %swap3A_385 {strides = array<i32>} : memref<64x128xf32, #tpu.memory_space<vmem>>, vector<1x16xf32>,
    }
    %scan3A_4 = arith.constant 32 : i32
    %dma_start3A = arith.constant 0 : i32
    %dma_start3A_5 = arith.constant 0 : i32
    %dma_start3A_6 = tpu.memref_slice %arg5[%dma_start3A, %dma_start3A_5] : memref<64x128xf32, #tpu.memory_space<vmem>> -> memref<32x128xf32, #tpu.memory_space<vmem>>
    %dma_start3A_7 = arith.constant 0 : i32
    %dma_start3A_8 = tpu.memref_slice %arg6[%mul3A_0, %dma_start3A_7] : memref<1024x128xf32, #tpu.memory_space<vmem_shared>> -> memref<32x128xf32, #tpu.memory_space<vmem_shared>>
    %dma_start3A_9 = arith.constant 0 : i32
    %dma_start3A_10 = tpu.memref_slice %arg6[%mul3A_0, %dma_start3A_9] : memref<1024x128xf32, #tpu.memory_space<vmem_shared>> -> memref<32x128xf32, #tpu.memory_space<vmem_shared>>
    %dma_start3A_11 = arith.constant 0 : i32
    %dma_start3A_12 = arith.constant 0 : i32
    %dma_start3A_13 = tpu.memref_slice %arg5[%dma_start3A_11, %dma_start3A_12] : memref<64x128xf32, #tpu.memory_space<vmem>> -> memref<32x128xf32, #tpu.memory_space<vmem>>
    tpu.enqueue_dma source(%dma_start3A_13 : memref<32x128xf32, #tpu.memory_space<vmem>>) target(%dma_start3A_10 : memref<32x128xf32, #tpu.memory_space<vmem_shared>>) target_semaphore(%arg7 : memref<!tpu.dma_semaphore, #tpu.memory_space<semaphore_mem>>)
    %scan3A_14 = arith.constant 32 : i32
    %scan3A_15 = arith.constant 32 : i32
    %scan3A_16 = arith.addi %scan3A_14, %scan3A_15 : i32
    %scan3A_17 = arith.constant 1 : i32
    scf.for %scan3A_309 = %scan3A_14 to %scan3A_16 step %scan3A_17  : i32 {
      %add3A_310 = arith.addi %mul3A_0, %scan3A_309 : i32
      %sub3A_311 = arith.constant 511 : i32
      %sub3A_312 = arith.subi %sub3A_311, %add3A_310 : i32
      %jit3A = arith.constant -32 : i32
      %jit3A_313 = arith.constant 32 : i32
      %max3A = arith.maxsi %jit3A, %sub3A_312 : i32
      %min3A = arith.minsi %jit3A_313, %max3A : i32
      %add3A_314 = arith.constant 32 : i32
      %add3A_315 = arith.addi %min3A, %add3A_314 : i32
      %get3A = arith.index_cast %add3A_315 : i32 to index
      %get3A_316 = arith.constant 0 : index
      %get3A_317 = tpu.vector_load %arg4[%get3A, %get3A_316] {strides = array<i32>} : memref<65x128xf32, #tpu.memory_space<vmem>>, vector<1x16xf32>,
      %get3A_318 = vector.shape_cast %get3A_317 : vector<1x16xf32> to vector<16xf32>
      %swap3A = arith.index_cast %scan3A_309 : i32 to index
      %swap3A_319 = arith.constant 0 : index
      %swap3A_320 = tpu.vector_load %arg5[%swap3A, %swap3A_319] {strides = array<i32>} : memref<64x128xf32, #tpu.memory_space<vmem>>, vector<1x16xf32>,
      %swap3A_321 = vector.shape_cast %swap3A_320 : vector<1x16xf32> to vector<16xf32>
      %swap3A_322 = vector.shape_cast %get3A_318 : vector<16xf32> to vector<1x16xf32>
      tpu.vector_store %arg5[%swap3A, %swap3A_319], %swap3A_322 {strides = array<i32>} : memref<64x128xf32, #tpu.memory_space<vmem>>, vector<1x16xf32>,
      %get3A_323 = arith.index_cast %add3A_315 : i32 to index
      %get3A_324 = arith.constant 16 : index
      %get3A_325 = tpu.vector_load %arg4[%get3A_323, %get3A_324] {strides = array<i32>} : memref<65x128xf32, #tpu.memory_space<vmem>>, vector<1x16xf32>,
      %get3A_326 = vector.shape_cast %get3A_325 : vector<1x16xf32> to vector<16xf32>
      %swap3A_327 = arith.index_cast %scan3A_309 : i32 to index
      %swap3A_328 = arith.constant 16 : index
      %swap3A_329 = tpu.vector_load %arg5[%swap3A_327, %swap3A_328] {strides = array<i32>} : memref<64x128xf32, #tpu.memory_space<vmem>>, vector<1x16xf32>,
      %swap3A_330 = vector.shape_cast %swap3A_329 : vector<1x16xf32> to vector<16xf32>
      %swap3A_331 = vector.shape_cast %get3A_326 : vector<16xf32> to vector<1x16xf32>
      tpu.vector_store %arg5[%swap3A_327, %swap3A_328], %swap3A_331 {strides = array<i32>} : memref<64x128xf32, #tpu.memory_space<vmem>>, vector<1x16xf32>,
      %get3A_332 = arith.index_cast %add3A_315 : i32 to index
      %get3A_333 = arith.constant 32 : index
      %get3A_334 = tpu.vector_load %arg4[%get3A_332, %get3A_333] {strides = array<i32>} : memref<65x128xf32, #tpu.memory_space<vmem>>, vector<1x16xf32>,
      %get3A_335 = vector.shape_cast %get3A_334 : vector<1x16xf32> to vector<16xf32>
      %swap3A_336 = arith.index_cast %scan3A_309 : i32 to index
      %swap3A_337 = arith.constant 32 : index
      %swap3A_338 = tpu.vector_load %arg5[%swap3A_336, %swap3A_337] {strides = array<i32>} : memref<64x128xf32, #tpu.memory_space<vmem>>, vector<1x16xf32>,
      %swap3A_339 = vector.shape_cast %swap3A_338 : vector<1x16xf32> to vector<16xf32>
      %swap3A_340 = vector.shape_cast %get3A_335 : vector<16xf32> to vector<1x16xf32>
      tpu.vector_store %arg5[%swap3A_336, %swap3A_337], %swap3A_340 {strides = array<i32>} : memref<64x128xf32, #tpu.memory_space<vmem>>, vector<1x16xf32>,
      %get3A_341 = arith.index_cast %add3A_315 : i32 to index
      %get3A_342 = arith.constant 48 : index
      %get3A_343 = tpu.vector_load %arg4[%get3A_341, %get3A_342] {strides = array<i32>} : memref<65x128xf32, #tpu.memory_space<vmem>>, vector<1x16xf32>,
      %get3A_344 = vector.shape_cast %get3A_343 : vector<1x16xf32> to vector<16xf32>
      %swap3A_345 = arith.index_cast %scan3A_309 : i32 to index
      %swap3A_346 = arith.constant 48 : index
      %swap3A_347 = tpu.vector_load %arg5[%swap3A_345, %swap3A_346] {strides = array<i32>} : memref<64x128xf32, #tpu.memory_space<vmem>>, vector<1x16xf32>,
      %swap3A_348 = vector.shape_cast %swap3A_347 : vector<1x16xf32> to vector<16xf32>
      %swap3A_349 = vector.shape_cast %get3A_344 : vector<16xf32> to vector<1x16xf32>
      tpu.vector_store %arg5[%swap3A_345, %swap3A_346], %swap3A_349 {strides = array<i32>} : memref<64x128xf32, #tpu.memory_space<vmem>>, vector<1x16xf32>,
      %get3A_350 = arith.index_cast %add3A_315 : i32 to index
      %get3A_351 = arith.constant 64 : index
      %get3A_352 = tpu.vector_load %arg4[%get3A_350, %get3A_351] {strides = array<i32>} : memref<65x128xf32, #tpu.memory_space<vmem>>, vector<1x16xf32>,
      %get3A_353 = vector.shape_cast %get3A_352 : vector<1x16xf32> to vector<16xf32>
      %swap3A_354 = arith.index_cast %scan3A_309 : i32 to index
      %swap3A_355 = arith.constant 64 : index
      %swap3A_356 = tpu.vector_load %arg5[%swap3A_354, %swap3A_355] {strides = array<i32>} : memref<64x128xf32, #tpu.memory_space<vmem>>, vector<1x16xf32>,
      %swap3A_357 = vector.shape_cast %swap3A_356 : vector<1x16xf32> to vector<16xf32>
      %swap3A_358 = vector.shape_cast %get3A_353 : vector<16xf32> to vector<1x16xf32>
      tpu.vector_store %arg5[%swap3A_354, %swap3A_355], %swap3A_358 {strides = array<i32>} : memref<64x128xf32, #tpu.memory_space<vmem>>, vector<1x16xf32>,
      %get3A_359 = arith.index_cast %add3A_315 : i32 to index
      %get3A_360 = arith.constant 80 : index
      %get3A_361 = tpu.vector_load %arg4[%get3A_359, %get3A_360] {strides = array<i32>} : memref<65x128xf32, #tpu.memory_space<vmem>>, vector<1x16xf32>,
      %get3A_362 = vector.shape_cast %get3A_361 : vector<1x16xf32> to vector<16xf32>
      %swap3A_363 = arith.index_cast %scan3A_309 : i32 to index
      %swap3A_364 = arith.constant 80 : index
      %swap3A_365 = tpu.vector_load %arg5[%swap3A_363, %swap3A_364] {strides = array<i32>} : memref<64x128xf32, #tpu.memory_space<vmem>>, vector<1x16xf32>,
      %swap3A_366 = vector.shape_cast %swap3A_365 : vector<1x16xf32> to vector<16xf32>
      %swap3A_367 = vector.shape_cast %get3A_362 : vector<16xf32> to vector<1x16xf32>
      tpu.vector_store %arg5[%swap3A_363, %swap3A_364], %swap3A_367 {strides = array<i32>} : memref<64x128xf32, #tpu.memory_space<vmem>>, vector<1x16xf32>,
      %get3A_368 = arith.index_cast %add3A_315 : i32 to index
      %get3A_369 = arith.constant 96 : index
      %get3A_370 = tpu.vector_load %arg4[%get3A_368, %get3A_369] {strides = array<i32>} : memref<65x128xf32, #tpu.memory_space<vmem>>, vector<1x16xf32>,
      %get3A_371 = vector.shape_cast %get3A_370 : vector<1x16xf32> to vector<16xf32>
      %swap3A_372 = arith.index_cast %scan3A_309 : i32 to index
      %swap3A_373 = arith.constant 96 : index
      %swap3A_374 = tpu.vector_load %arg5[%swap3A_372, %swap3A_373] {strides = array<i32>} : memref<64x128xf32, #tpu.memory_space<vmem>>, vector<1x16xf32>,
      %swap3A_375 = vector.shape_cast %swap3A_374 : vector<1x16xf32> to vector<16xf32>
      %swap3A_376 = vector.shape_cast %get3A_371 : vector<16xf32> to vector<1x16xf32>
      tpu.vector_store %arg5[%swap3A_372, %swap3A_373], %swap3A_376 {strides = array<i32>} : memref<64x128xf32, #tpu.memory_space<vmem>>, vector<1x16xf32>,
      %get3A_377 = arith.index_cast %add3A_315 : i32 to index
      %get3A_378 = arith.constant 112 : index
      %get3A_379 = tpu.vector_load %arg4[%get3A_377, %get3A_378] {strides = array<i32>} : memref<65x128xf32, #tpu.memory_space<vmem>>, vector<1x16xf32>,
      %get3A_380 = vector.shape_cast %get3A_379 : vector<1x16xf32> to vector<16xf32>
      %swap3A_381 = arith.index_cast %scan3A_309 : i32 to index
      %swap3A_382 = arith.constant 112 : index
      %swap3A_383 = tpu.vector_load %arg5[%swap3A_381, %swap3A_382] {strides = array<i32>} : memref<64x128xf32, #tpu.memory_space<vmem>>, vector<1x16xf32>,
      %swap3A_384 = vector.shape_cast %swap3A_383 : vector<1x16xf32> to vector<16xf32>
      %swap3A_385 = vector.shape_cast %get3A_380 : vector<16xf32> to vector<1x16xf32>
      tpu.vector_store %arg5[%swap3A_381, %swap3A_382], %swap3A_385 {strides = array<i32>} : memref<64x128xf32, #tpu.memory_space<vmem>>, vector<1x16xf32>,
    }
    %scan3A_18 = arith.constant 32 : i32
    %add3A = arith.constant 32 : i32
    %add3A_19 = arith.addi %mul3A_0, %add3A : i32
    %dma_start3A_20 = arith.constant 32 : i32
    %dma_start3A_21 = arith.constant 0 : i32
    %dma_start3A_22 = tpu.memref_slice %arg5[%dma_start3A_20, %dma_start3A_21] : memref<64x128xf32, #tpu.memory_space<vmem>> -> memref<32x128xf32, #tpu.memory_space<vmem>>
    %dma_start3A_23 = arith.constant 0 : i32
    %dma_start3A_24 = tpu.memref_slice %arg6[%add3A_19, %dma_start3A_23] : memref<1024x128xf32, #tpu.memory_space<vmem_shared>> -> memref<32x128xf32, #tpu.memory_space<vmem_shared>>
    %dma_start3A_25 = arith.constant 0 : i32
    %dma_start3A_26 = tpu.memref_slice %arg6[%add3A_19, %dma_start3A_25] : memref<1024x128xf32, #tpu.memory_space<vmem_shared>> -> memref<32x128xf32, #tpu.memory_space<vmem_shared>>
    %dma_start3A_27 = arith.constant 32 : i32
    %dma_start3A_28 = arith.constant 0 : i32
    %dma_start3A_29 = tpu.memref_slice %arg5[%dma_start3A_27, %dma_start3A_28] : memref<64x128xf32, #tpu.memory_space<vmem>> -> memref<32x128xf32, #tpu.memory_space<vmem>>
    tpu.enqueue_dma source(%dma_start3A_29 : memref<32x128xf32, #tpu.memory_space<vmem>>) target(%dma_start3A_26 : memref<32x128xf32, #tpu.memory_space<vmem_shared>>) target_semaphore(%arg7 : memref<!tpu.dma_semaphore, #tpu.memory_space<semaphore_mem>>)
    %dma_wait3A = arith.constant 0 : i32
    %dma_wait3A_30 = arith.constant 0 : i32
    %dma_wait3A_31 = tpu.memref_slice %arg5[%dma_wait3A, %dma_wait3A_30] : memref<64x128xf32, #tpu.memory_space<vmem>> -> memref<32x128xf32, #tpu.memory_space<vmem>>
    %dma_wait3A_32 = arith.constant 0 : i32
    %dma_wait3A_33 = tpu.memref_slice %arg6[%mul3A_0, %dma_wait3A_32] : memref<1024x128xf32, #tpu.memory_space<vmem_shared>> -> memref<32x128xf32, #tpu.memory_space<vmem_shared>>
    %dma_wait3A_34 = arith.constant 0 : i32
    %dma_wait3A_35 = tpu.memref_slice %arg6[%mul3A_0, %dma_wait3A_34] : memref<1024x128xf32, #tpu.memory_space<vmem_shared>> -> memref<32x128xf32, #tpu.memory_space<vmem_shared>>
    %dma_wait3A_36 = arith.constant 0 : i32
    %dma_wait3A_37 = arith.constant 0 : i32
    %dma_wait3A_38 = tpu.memref_slice %arg5[%dma_wait3A_36, %dma_wait3A_37] : memref<64x128xf32, #tpu.memory_space<vmem>> -> memref<32x128xf32, #tpu.memory_space<vmem>>
    tpu.wait_dma2 semaphore(%arg7 : memref<!tpu.dma_semaphore, #tpu.memory_space<semaphore_mem>>) src(%dma_wait3A_38 : memref<32x128xf32, #tpu.memory_space<vmem>>) dst(%dma_wait3A_35 : memref<32x128xf32, #tpu.memory_space<vmem_shared>>)
    %dma_wait3A_39 = arith.constant 32 : i32
    %dma_wait3A_40 = arith.constant 0 : i32
    %dma_wait3A_41 = tpu.memref_slice %arg5[%dma_wait3A_39, %dma_wait3A_40] : memref<64x128xf32, #tpu.memory_space<vmem>> -> memref<32x128xf32, #tpu.memory_space<vmem>>
    %dma_wait3A_42 = arith.constant 0 : i32
    %dma_wait3A_43 = tpu.memref_slice %arg6[%add3A_19, %dma_wait3A_42] : memref<1024x128xf32, #tpu.memory_space<vmem_shared>> -> memref<32x128xf32, #tpu.memory_space<vmem_shared>>
    %dma_wait3A_44 = arith.constant 0 : i32
    %dma_wait3A_45 = tpu.memref_slice %arg6[%add3A_19, %dma_wait3A_44] : memref<1024x128xf32, #tpu.memory_space<vmem_shared>> -> memref<32x128xf32, #tpu.memory_space<vmem_shared>>
    %dma_wait3A_46 = arith.constant 32 : i32
    %dma_wait3A_47 = arith.constant 0 : i32
    %dma_wait3A_48 = tpu.memref_slice %arg5[%dma_wait3A_46, %dma_wait3A_47] : memref<64x128xf32, #tpu.memory_space<vmem>> -> memref<32x128xf32, #tpu.memory_space<vmem>>
    tpu.wait_dma2 semaphore(%arg7 : memref<!tpu.dma_semaphore, #tpu.memory_space<semaphore_mem>>) src(%dma_wait3A_48 : memref<32x128xf32, #tpu.memory_space<vmem>>) dst(%dma_wait3A_45 : memref<32x128xf32, #tpu.memory_space<vmem_shared>>)
    %barrier3A = arith.constant 0 : index
    tpu.barrier barrier_id(%barrier3A)
    %mul3A_49 = arith.constant 16 : i32
    %mul3A_50 = arith.muli %arg0, %mul3A_49 : i32
    %add3A_51 = arith.addi %mul3A_50, %arg1 : i32
    %mul3A_52 = arith.constant 16 : i32
    %mul3A_53 = arith.muli %add3A_51, %mul3A_52 : i32
    %add3A_54 = arith.constant 0 : i32
    %add3A_55 = arith.addi %mul3A_53, %add3A_54 : i32
    %sub3A = arith.constant 511 : i32
    %sub3A_56 = arith.subi %sub3A, %add3A_55 : i32
    %add3A_57 = arith.constant 0 : i32
    %add3A_58 = arith.addi %mul3A_53, %add3A_57 : i32
    %mul3A_59 = arith.constant 512 : i32
    %mul3A_60 = arith.muli %add3A_58, %mul3A_59 : i32
    %dma_start3A_61 = arith.constant 0 : i32
    %dma_start3A_62 = tpu.memref_slice %arg3[%mul3A_60, %dma_start3A_61] : memref<262144x128xf32, #tpu.memory_space<hbm>> -> memref<512x128xf32, #tpu.memory_space<hbm>>
    %dma_start3A_63 = arith.constant 0 : i32
    %dma_start3A_64 = tpu.memref_slice %arg6[%sub3A_56, %dma_start3A_63] : memref<1024x128xf32, #tpu.memory_space<vmem_shared>> -> memref<512x128xf32, #tpu.memory_space<vmem_shared>>
    tpu.enqueue_dma source(%dma_start3A_64 : memref<512x128xf32, #tpu.memory_space<vmem_shared>>) target(%dma_start3A_62 : memref<512x128xf32, #tpu.memory_space<hbm>>) target_semaphore(%arg8 : memref<!tpu.dma_semaphore, #tpu.memory_space<semaphore_mem>>)
    %add3A_65 = arith.constant 1 : i32
    %add3A_66 = arith.addi %mul3A_53, %add3A_65 : i32
    %sub3A_67 = arith.constant 511 : i32
    %sub3A_68 = arith.subi %sub3A_67, %add3A_66 : i32
    %add3A_69 = arith.constant 1 : i32
    %add3A_70 = arith.addi %mul3A_53, %add3A_69 : i32
    %mul3A_71 = arith.constant 512 : i32
    %mul3A_72 = arith.muli %add3A_70, %mul3A_71 : i32
    %dma_start3A_73 = arith.constant 0 : i32
    %dma_start3A_74 = tpu.memref_slice %arg3[%mul3A_72, %dma_start3A_73] : memref<262144x128xf32, #tpu.memory_space<hbm>> -> memref<512x128xf32, #tpu.memory_space<hbm>>
    %dma_start3A_75 = arith.constant 0 : i32
    %dma_start3A_76 = tpu.memref_slice %arg6[%sub3A_68, %dma_start3A_75] : memref<1024x128xf32, #tpu.memory_space<vmem_shared>> -> memref<512x128xf32, #tpu.memory_space<vmem_shared>>
    tpu.enqueue_dma source(%dma_start3A_76 : memref<512x128xf32, #tpu.memory_space<vmem_shared>>) target(%dma_start3A_74 : memref<512x128xf32, #tpu.memory_space<hbm>>) target_semaphore(%arg8 : memref<!tpu.dma_semaphore, #tpu.memory_space<semaphore_mem>>)
    %add3A_77 = arith.constant 2 : i32
    %add3A_78 = arith.addi %mul3A_53, %add3A_77 : i32
    %sub3A_79 = arith.constant 511 : i32
    %sub3A_80 = arith.subi %sub3A_79, %add3A_78 : i32
    %add3A_81 = arith.constant 2 : i32
    %add3A_82 = arith.addi %mul3A_53, %add3A_81 : i32
    %mul3A_83 = arith.constant 512 : i32
    %mul3A_84 = arith.muli %add3A_82, %mul3A_83 : i32
    %dma_start3A_85 = arith.constant 0 : i32
    %dma_start3A_86 = tpu.memref_slice %arg3[%mul3A_84, %dma_start3A_85] : memref<262144x128xf32, #tpu.memory_space<hbm>> -> memref<512x128xf32, #tpu.memory_space<hbm>>
    %dma_start3A_87 = arith.constant 0 : i32
    %dma_start3A_88 = tpu.memref_slice %arg6[%sub3A_80, %dma_start3A_87] : memref<1024x128xf32, #tpu.memory_space<vmem_shared>> -> memref<512x128xf32, #tpu.memory_space<vmem_shared>>
    tpu.enqueue_dma source(%dma_start3A_88 : memref<512x128xf32, #tpu.memory_space<vmem_shared>>) target(%dma_start3A_86 : memref<512x128xf32, #tpu.memory_space<hbm>>) target_semaphore(%arg8 : memref<!tpu.dma_semaphore, #tpu.memory_space<semaphore_mem>>)
    %add3A_89 = arith.constant 3 : i32
    %add3A_90 = arith.addi %mul3A_53, %add3A_89 : i32
    %sub3A_91 = arith.constant 511 : i32
    %sub3A_92 = arith.subi %sub3A_91, %add3A_90 : i32
    %add3A_93 = arith.constant 3 : i32
    %add3A_94 = arith.addi %mul3A_53, %add3A_93 : i32
    %mul3A_95 = arith.constant 512 : i32
    %mul3A_96 = arith.muli %add3A_94, %mul3A_95 : i32
    %dma_start3A_97 = arith.constant 0 : i32
    %dma_start3A_98 = tpu.memref_slice %arg3[%mul3A_96, %dma_start3A_97] : memref<262144x128xf32, #tpu.memory_space<hbm>> -> memref<512x128xf32, #tpu.memory_space<hbm>>
    %dma_start3A_99 = arith.constant 0 : i32
    %dma_start3A_100 = tpu.memref_slice %arg6[%sub3A_92, %dma_start3A_99] : memref<1024x128xf32, #tpu.memory_space<vmem_shared>> -> memref<512x128xf32, #tpu.memory_space<vmem_shared>>
    tpu.enqueue_dma source(%dma_start3A_100 : memref<512x128xf32, #tpu.memory_space<vmem_shared>>) target(%dma_start3A_98 : memref<512x128xf32, #tpu.memory_space<hbm>>) target_semaphore(%arg8 : memref<!tpu.dma_semaphore, #tpu.memory_space<semaphore_mem>>)
    %add3A_101 = arith.constant 4 : i32
    %add3A_102 = arith.addi %mul3A_53, %add3A_101 : i32
    %sub3A_103 = arith.constant 511 : i32
    %sub3A_104 = arith.subi %sub3A_103, %add3A_102 : i32
    %add3A_105 = arith.constant 4 : i32
    %add3A_106 = arith.addi %mul3A_53, %add3A_105 : i32
    %mul3A_107 = arith.constant 512 : i32
    %mul3A_108 = arith.muli %add3A_106, %mul3A_107 : i32
    %dma_start3A_109 = arith.constant 0 : i32
    %dma_start3A_110 = tpu.memref_slice %arg3[%mul3A_108, %dma_start3A_109] : memref<262144x128xf32, #tpu.memory_space<hbm>> -> memref<512x128xf32, #tpu.memory_space<hbm>>
    %dma_start3A_111 = arith.constant 0 : i32
    %dma_start3A_112 = tpu.memref_slice %arg6[%sub3A_104, %dma_start3A_111] : memref<1024x128xf32, #tpu.memory_space<vmem_shared>> -> memref<512x128xf32, #tpu.memory_space<vmem_shared>>
    tpu.enqueue_dma source(%dma_start3A_112 : memref<512x128xf32, #tpu.memory_space<vmem_shared>>) target(%dma_start3A_110 : memref<512x128xf32, #tpu.memory_space<hbm>>) target_semaphore(%arg8 : memref<!tpu.dma_semaphore, #tpu.memory_space<semaphore_mem>>)
    %add3A_113 = arith.constant 5 : i32
    %add3A_114 = arith.addi %mul3A_53, %add3A_113 : i32
    %sub3A_115 = arith.constant 511 : i32
    %sub3A_116 = arith.subi %sub3A_115, %add3A_114 : i32
    %add3A_117 = arith.constant 5 : i32
    %add3A_118 = arith.addi %mul3A_53, %add3A_117 : i32
    %mul3A_119 = arith.constant 512 : i32
    %mul3A_120 = arith.muli %add3A_118, %mul3A_119 : i32
    %dma_start3A_121 = arith.constant 0 : i32
    %dma_start3A_122 = tpu.memref_slice %arg3[%mul3A_120, %dma_start3A_121] : memref<262144x128xf32, #tpu.memory_space<hbm>> -> memref<512x128xf32, #tpu.memory_space<hbm>>
    %dma_start3A_123 = arith.constant 0 : i32
    %dma_start3A_124 = tpu.memref_slice %arg6[%sub3A_116, %dma_start3A_123] : memref<1024x128xf32, #tpu.memory_space<vmem_shared>> -> memref<512x128xf32, #tpu.memory_space<vmem_shared>>
    tpu.enqueue_dma source(%dma_start3A_124 : memref<512x128xf32, #tpu.memory_space<vmem_shared>>) target(%dma_start3A_122 : memref<512x128xf32, #tpu.memory_space<hbm>>) target_semaphore(%arg8 : memref<!tpu.dma_semaphore, #tpu.memory_space<semaphore_mem>>)
    %add3A_125 = arith.constant 6 : i32
    %add3A_126 = arith.addi %mul3A_53, %add3A_125 : i32
    %sub3A_127 = arith.constant 511 : i32
    %sub3A_128 = arith.subi %sub3A_127, %add3A_126 : i32
    %add3A_129 = arith.constant 6 : i32
    %add3A_130 = arith.addi %mul3A_53, %add3A_129 : i32
    %mul3A_131 = arith.constant 512 : i32
    %mul3A_132 = arith.muli %add3A_130, %mul3A_131 : i32
    %dma_start3A_133 = arith.constant 0 : i32
    %dma_start3A_134 = tpu.memref_slice %arg3[%mul3A_132, %dma_start3A_133] : memref<262144x128xf32, #tpu.memory_space<hbm>> -> memref<512x128xf32, #tpu.memory_space<hbm>>
    %dma_start3A_135 = arith.constant 0 : i32
    %dma_start3A_136 = tpu.memref_slice %arg6[%sub3A_128, %dma_start3A_135] : memref<1024x128xf32, #tpu.memory_space<vmem_shared>> -> memref<512x128xf32, #tpu.memory_space<vmem_shared>>
    tpu.enqueue_dma source(%dma_start3A_136 : memref<512x128xf32, #tpu.memory_space<vmem_shared>>) target(%dma_start3A_134 : memref<512x128xf32, #tpu.memory_space<hbm>>) target_semaphore(%arg8 : memref<!tpu.dma_semaphore, #tpu.memory_space<semaphore_mem>>)
    %add3A_137 = arith.constant 7 : i32
    %add3A_138 = arith.addi %mul3A_53, %add3A_137 : i32
    %sub3A_139 = arith.constant 511 : i32
    %sub3A_140 = arith.subi %sub3A_139, %add3A_138 : i32
    %add3A_141 = arith.constant 7 : i32
    %add3A_142 = arith.addi %mul3A_53, %add3A_141 : i32
    %mul3A_143 = arith.constant 512 : i32
    %mul3A_144 = arith.muli %add3A_142, %mul3A_143 : i32
    %dma_start3A_145 = arith.constant 0 : i32
    %dma_start3A_146 = tpu.memref_slice %arg3[%mul3A_144, %dma_start3A_145] : memref<262144x128xf32, #tpu.memory_space<hbm>> -> memref<512x128xf32, #tpu.memory_space<hbm>>
    %dma_start3A_147 = arith.constant 0 : i32
    %dma_start3A_148 = tpu.memref_slice %arg6[%sub3A_140, %dma_start3A_147] : memref<1024x128xf32, #tpu.memory_space<vmem_shared>> -> memref<512x128xf32, #tpu.memory_space<vmem_shared>>
    tpu.enqueue_dma source(%dma_start3A_148 : memref<512x128xf32, #tpu.memory_space<vmem_shared>>) target(%dma_start3A_146 : memref<512x128xf32, #tpu.memory_space<hbm>>) target_semaphore(%arg8 : memref<!tpu.dma_semaphore, #tpu.memory_space<semaphore_mem>>)
    %add3A_149 = arith.constant 8 : i32
    %add3A_150 = arith.addi %mul3A_53, %add3A_149 : i32
    %sub3A_151 = arith.constant 511 : i32
    %sub3A_152 = arith.subi %sub3A_151, %add3A_150 : i32
    %add3A_153 = arith.constant 8 : i32
    %add3A_154 = arith.addi %mul3A_53, %add3A_153 : i32
    %mul3A_155 = arith.constant 512 : i32
    %mul3A_156 = arith.muli %add3A_154, %mul3A_155 : i32
    %dma_start3A_157 = arith.constant 0 : i32
    %dma_start3A_158 = tpu.memref_slice %arg3[%mul3A_156, %dma_start3A_157] : memref<262144x128xf32, #tpu.memory_space<hbm>> -> memref<512x128xf32, #tpu.memory_space<hbm>>
    %dma_start3A_159 = arith.constant 0 : i32
    %dma_start3A_160 = tpu.memref_slice %arg6[%sub3A_152, %dma_start3A_159] : memref<1024x128xf32, #tpu.memory_space<vmem_shared>> -> memref<512x128xf32, #tpu.memory_space<vmem_shared>>
    tpu.enqueue_dma source(%dma_start3A_160 : memref<512x128xf32, #tpu.memory_space<vmem_shared>>) target(%dma_start3A_158 : memref<512x128xf32, #tpu.memory_space<hbm>>) target_semaphore(%arg8 : memref<!tpu.dma_semaphore, #tpu.memory_space<semaphore_mem>>)
    %add3A_161 = arith.constant 9 : i32
    %add3A_162 = arith.addi %mul3A_53, %add3A_161 : i32
    %sub3A_163 = arith.constant 511 : i32
    %sub3A_164 = arith.subi %sub3A_163, %add3A_162 : i32
    %add3A_165 = arith.constant 9 : i32
    %add3A_166 = arith.addi %mul3A_53, %add3A_165 : i32
    %mul3A_167 = arith.constant 512 : i32
    %mul3A_168 = arith.muli %add3A_166, %mul3A_167 : i32
    %dma_start3A_169 = arith.constant 0 : i32
    %dma_start3A_170 = tpu.memref_slice %arg3[%mul3A_168, %dma_start3A_169] : memref<262144x128xf32, #tpu.memory_space<hbm>> -> memref<512x128xf32, #tpu.memory_space<hbm>>
    %dma_start3A_171 = arith.constant 0 : i32
    %dma_start3A_172 = tpu.memref_slice %arg6[%sub3A_164, %dma_start3A_171] : memref<1024x128xf32, #tpu.memory_space<vmem_shared>> -> memref<512x128xf32, #tpu.memory_space<vmem_shared>>
    tpu.enqueue_dma source(%dma_start3A_172 : memref<512x128xf32, #tpu.memory_space<vmem_shared>>) target(%dma_start3A_170 : memref<512x128xf32, #tpu.memory_space<hbm>>) target_semaphore(%arg8 : memref<!tpu.dma_semaphore, #tpu.memory_space<semaphore_mem>>)
    %add3A_173 = arith.constant 10 : i32
    %add3A_174 = arith.addi %mul3A_53, %add3A_173 : i32
    %sub3A_175 = arith.constant 511 : i32
    %sub3A_176 = arith.subi %sub3A_175, %add3A_174 : i32
    %add3A_177 = arith.constant 10 : i32
    %add3A_178 = arith.addi %mul3A_53, %add3A_177 : i32
    %mul3A_179 = arith.constant 512 : i32
    %mul3A_180 = arith.muli %add3A_178, %mul3A_179 : i32
    %dma_start3A_181 = arith.constant 0 : i32
    %dma_start3A_182 = tpu.memref_slice %arg3[%mul3A_180, %dma_start3A_181] : memref<262144x128xf32, #tpu.memory_space<hbm>> -> memref<512x128xf32, #tpu.memory_space<hbm>>
    %dma_start3A_183 = arith.constant 0 : i32
    %dma_start3A_184 = tpu.memref_slice %arg6[%sub3A_176, %dma_start3A_183] : memref<1024x128xf32, #tpu.memory_space<vmem_shared>> -> memref<512x128xf32, #tpu.memory_space<vmem_shared>>
    tpu.enqueue_dma source(%dma_start3A_184 : memref<512x128xf32, #tpu.memory_space<vmem_shared>>) target(%dma_start3A_182 : memref<512x128xf32, #tpu.memory_space<hbm>>) target_semaphore(%arg8 : memref<!tpu.dma_semaphore, #tpu.memory_space<semaphore_mem>>)
    %add3A_185 = arith.constant 11 : i32
    %add3A_186 = arith.addi %mul3A_53, %add3A_185 : i32
    %sub3A_187 = arith.constant 511 : i32
    %sub3A_188 = arith.subi %sub3A_187, %add3A_186 : i32
    %add3A_189 = arith.constant 11 : i32
    %add3A_190 = arith.addi %mul3A_53, %add3A_189 : i32
    %mul3A_191 = arith.constant 512 : i32
    %mul3A_192 = arith.muli %add3A_190, %mul3A_191 : i32
    %dma_start3A_193 = arith.constant 0 : i32
    %dma_start3A_194 = tpu.memref_slice %arg3[%mul3A_192, %dma_start3A_193] : memref<262144x128xf32, #tpu.memory_space<hbm>> -> memref<512x128xf32, #tpu.memory_space<hbm>>
    %dma_start3A_195 = arith.constant 0 : i32
    %dma_start3A_196 = tpu.memref_slice %arg6[%sub3A_188, %dma_start3A_195] : memref<1024x128xf32, #tpu.memory_space<vmem_shared>> -> memref<512x128xf32, #tpu.memory_space<vmem_shared>>
    tpu.enqueue_dma source(%dma_start3A_196 : memref<512x128xf32, #tpu.memory_space<vmem_shared>>) target(%dma_start3A_194 : memref<512x128xf32, #tpu.memory_space<hbm>>) target_semaphore(%arg8 : memref<!tpu.dma_semaphore, #tpu.memory_space<semaphore_mem>>)
    %add3A_197 = arith.constant 12 : i32
    %add3A_198 = arith.addi %mul3A_53, %add3A_197 : i32
    %sub3A_199 = arith.constant 511 : i32
    %sub3A_200 = arith.subi %sub3A_199, %add3A_198 : i32
    %add3A_201 = arith.constant 12 : i32
    %add3A_202 = arith.addi %mul3A_53, %add3A_201 : i32
    %mul3A_203 = arith.constant 512 : i32
    %mul3A_204 = arith.muli %add3A_202, %mul3A_203 : i32
    %dma_start3A_205 = arith.constant 0 : i32
    %dma_start3A_206 = tpu.memref_slice %arg3[%mul3A_204, %dma_start3A_205] : memref<262144x128xf32, #tpu.memory_space<hbm>> -> memref<512x128xf32, #tpu.memory_space<hbm>>
    %dma_start3A_207 = arith.constant 0 : i32
    %dma_start3A_208 = tpu.memref_slice %arg6[%sub3A_200, %dma_start3A_207] : memref<1024x128xf32, #tpu.memory_space<vmem_shared>> -> memref<512x128xf32, #tpu.memory_space<vmem_shared>>
    tpu.enqueue_dma source(%dma_start3A_208 : memref<512x128xf32, #tpu.memory_space<vmem_shared>>) target(%dma_start3A_206 : memref<512x128xf32, #tpu.memory_space<hbm>>) target_semaphore(%arg8 : memref<!tpu.dma_semaphore, #tpu.memory_space<semaphore_mem>>)
    %add3A_209 = arith.constant 13 : i32
    %add3A_210 = arith.addi %mul3A_53, %add3A_209 : i32
    %sub3A_211 = arith.constant 511 : i32
    %sub3A_212 = arith.subi %sub3A_211, %add3A_210 : i32
    %add3A_213 = arith.constant 13 : i32
    %add3A_214 = arith.addi %mul3A_53, %add3A_213 : i32
    %mul3A_215 = arith.constant 512 : i32
    %mul3A_216 = arith.muli %add3A_214, %mul3A_215 : i32
    %dma_start3A_217 = arith.constant 0 : i32
    %dma_start3A_218 = tpu.memref_slice %arg3[%mul3A_216, %dma_start3A_217] : memref<262144x128xf32, #tpu.memory_space<hbm>> -> memref<512x128xf32, #tpu.memory_space<hbm>>
    %dma_start3A_219 = arith.constant 0 : i32
    %dma_start3A_220 = tpu.memref_slice %arg6[%sub3A_212, %dma_start3A_219] : memref<1024x128xf32, #tpu.memory_space<vmem_shared>> -> memref<512x128xf32, #tpu.memory_space<vmem_shared>>
    tpu.enqueue_dma source(%dma_start3A_220 : memref<512x128xf32, #tpu.memory_space<vmem_shared>>) target(%dma_start3A_218 : memref<512x128xf32, #tpu.memory_space<hbm>>) target_semaphore(%arg8 : memref<!tpu.dma_semaphore, #tpu.memory_space<semaphore_mem>>)
    %add3A_221 = arith.constant 14 : i32
    %add3A_222 = arith.addi %mul3A_53, %add3A_221 : i32
    %sub3A_223 = arith.constant 511 : i32
    %sub3A_224 = arith.subi %sub3A_223, %add3A_222 : i32
    %add3A_225 = arith.constant 14 : i32
    %add3A_226 = arith.addi %mul3A_53, %add3A_225 : i32
    %mul3A_227 = arith.constant 512 : i32
    %mul3A_228 = arith.muli %add3A_226, %mul3A_227 : i32
    %dma_start3A_229 = arith.constant 0 : i32
    %dma_start3A_230 = tpu.memref_slice %arg3[%mul3A_228, %dma_start3A_229] : memref<262144x128xf32, #tpu.memory_space<hbm>> -> memref<512x128xf32, #tpu.memory_space<hbm>>
    %dma_start3A_231 = arith.constant 0 : i32
    %dma_start3A_232 = tpu.memref_slice %arg6[%sub3A_224, %dma_start3A_231] : memref<1024x128xf32, #tpu.memory_space<vmem_shared>> -> memref<512x128xf32, #tpu.memory_space<vmem_shared>>
    tpu.enqueue_dma source(%dma_start3A_232 : memref<512x128xf32, #tpu.memory_space<vmem_shared>>) target(%dma_start3A_230 : memref<512x128xf32, #tpu.memory_space<hbm>>) target_semaphore(%arg8 : memref<!tpu.dma_semaphore, #tpu.memory_space<semaphore_mem>>)
    %add3A_233 = arith.constant 15 : i32
    %add3A_234 = arith.addi %mul3A_53, %add3A_233 : i32
    %sub3A_235 = arith.constant 511 : i32
    %sub3A_236 = arith.subi %sub3A_235, %add3A_234 : i32
    %add3A_237 = arith.constant 15 : i32
    %add3A_238 = arith.addi %mul3A_53, %add3A_237 : i32
    %mul3A_239 = arith.constant 512 : i32
    %mul3A_240 = arith.muli %add3A_238, %mul3A_239 : i32
    %dma_start3A_241 = arith.constant 0 : i32
    %dma_start3A_242 = tpu.memref_slice %arg3[%mul3A_240, %dma_start3A_241] : memref<262144x128xf32, #tpu.memory_space<hbm>> -> memref<512x128xf32, #tpu.memory_space<hbm>>
    %dma_start3A_243 = arith.constant 0 : i32
    %dma_start3A_244 = tpu.memref_slice %arg6[%sub3A_236, %dma_start3A_243] : memref<1024x128xf32, #tpu.memory_space<vmem_shared>> -> memref<512x128xf32, #tpu.memory_space<vmem_shared>>
    tpu.enqueue_dma source(%dma_start3A_244 : memref<512x128xf32, #tpu.memory_space<vmem_shared>>) target(%dma_start3A_242 : memref<512x128xf32, #tpu.memory_space<hbm>>) target_semaphore(%arg8 : memref<!tpu.dma_semaphore, #tpu.memory_space<semaphore_mem>>)
    %dma_wait3A_245 = arith.constant 0 : i32
    %dma_wait3A_246 = tpu.memref_slice %arg3[%mul3A_60, %dma_wait3A_245] : memref<262144x128xf32, #tpu.memory_space<hbm>> -> memref<512x128xf32, #tpu.memory_space<hbm>>
    %dma_wait3A_247 = arith.constant 0 : i32
    %dma_wait3A_248 = tpu.memref_slice %arg6[%sub3A_56, %dma_wait3A_247] : memref<1024x128xf32, #tpu.memory_space<vmem_shared>> -> memref<512x128xf32, #tpu.memory_space<vmem_shared>>
    tpu.wait_dma2 semaphore(%arg8 : memref<!tpu.dma_semaphore, #tpu.memory_space<semaphore_mem>>) src(%dma_wait3A_248 : memref<512x128xf32, #tpu.memory_space<vmem_shared>>) dst(%dma_wait3A_246 : memref<512x128xf32, #tpu.memory_space<hbm>>)
    %dma_wait3A_249 = arith.constant 0 : i32
    %dma_wait3A_250 = tpu.memref_slice %arg3[%mul3A_72, %dma_wait3A_249] : memref<262144x128xf32, #tpu.memory_space<hbm>> -> memref<512x128xf32, #tpu.memory_space<hbm>>
    %dma_wait3A_251 = arith.constant 0 : i32
    %dma_wait3A_252 = tpu.memref_slice %arg6[%sub3A_68, %dma_wait3A_251] : memref<1024x128xf32, #tpu.memory_space<vmem_shared>> -> memref<512x128xf32, #tpu.memory_space<vmem_shared>>
    tpu.wait_dma2 semaphore(%arg8 : memref<!tpu.dma_semaphore, #tpu.memory_space<semaphore_mem>>) src(%dma_wait3A_252 : memref<512x128xf32, #tpu.memory_space<vmem_shared>>) dst(%dma_wait3A_250 : memref<512x128xf32, #tpu.memory_space<hbm>>)
    %dma_wait3A_253 = arith.constant 0 : i32
    %dma_wait3A_254 = tpu.memref_slice %arg3[%mul3A_84, %dma_wait3A_253] : memref<262144x128xf32, #tpu.memory_space<hbm>> -> memref<512x128xf32, #tpu.memory_space<hbm>>
    %dma_wait3A_255 = arith.constant 0 : i32
    %dma_wait3A_256 = tpu.memref_slice %arg6[%sub3A_80, %dma_wait3A_255] : memref<1024x128xf32, #tpu.memory_space<vmem_shared>> -> memref<512x128xf32, #tpu.memory_space<vmem_shared>>
    tpu.wait_dma2 semaphore(%arg8 : memref<!tpu.dma_semaphore, #tpu.memory_space<semaphore_mem>>) src(%dma_wait3A_256 : memref<512x128xf32, #tpu.memory_space<vmem_shared>>) dst(%dma_wait3A_254 : memref<512x128xf32, #tpu.memory_space<hbm>>)
    %dma_wait3A_257 = arith.constant 0 : i32
    %dma_wait3A_258 = tpu.memref_slice %arg3[%mul3A_96, %dma_wait3A_257] : memref<262144x128xf32, #tpu.memory_space<hbm>> -> memref<512x128xf32, #tpu.memory_space<hbm>>
    %dma_wait3A_259 = arith.constant 0 : i32
    %dma_wait3A_260 = tpu.memref_slice %arg6[%sub3A_92, %dma_wait3A_259] : memref<1024x128xf32, #tpu.memory_space<vmem_shared>> -> memref<512x128xf32, #tpu.memory_space<vmem_shared>>
    tpu.wait_dma2 semaphore(%arg8 : memref<!tpu.dma_semaphore, #tpu.memory_space<semaphore_mem>>) src(%dma_wait3A_260 : memref<512x128xf32, #tpu.memory_space<vmem_shared>>) dst(%dma_wait3A_258 : memref<512x128xf32, #tpu.memory_space<hbm>>)
    %dma_wait3A_261 = arith.constant 0 : i32
    %dma_wait3A_262 = tpu.memref_slice %arg3[%mul3A_108, %dma_wait3A_261] : memref<262144x128xf32, #tpu.memory_space<hbm>> -> memref<512x128xf32, #tpu.memory_space<hbm>>
    %dma_wait3A_263 = arith.constant 0 : i32
    %dma_wait3A_264 = tpu.memref_slice %arg6[%sub3A_104, %dma_wait3A_263] : memref<1024x128xf32, #tpu.memory_space<vmem_shared>> -> memref<512x128xf32, #tpu.memory_space<vmem_shared>>
    tpu.wait_dma2 semaphore(%arg8 : memref<!tpu.dma_semaphore, #tpu.memory_space<semaphore_mem>>) src(%dma_wait3A_264 : memref<512x128xf32, #tpu.memory_space<vmem_shared>>) dst(%dma_wait3A_262 : memref<512x128xf32, #tpu.memory_space<hbm>>)
    %dma_wait3A_265 = arith.constant 0 : i32
    %dma_wait3A_266 = tpu.memref_slice %arg3[%mul3A_120, %dma_wait3A_265] : memref<262144x128xf32, #tpu.memory_space<hbm>> -> memref<512x128xf32, #tpu.memory_space<hbm>>
    %dma_wait3A_267 = arith.constant 0 : i32
    %dma_wait3A_268 = tpu.memref_slice %arg6[%sub3A_116, %dma_wait3A_267] : memref<1024x128xf32, #tpu.memory_space<vmem_shared>> -> memref<512x128xf32, #tpu.memory_space<vmem_shared>>
    tpu.wait_dma2 semaphore(%arg8 : memref<!tpu.dma_semaphore, #tpu.memory_space<semaphore_mem>>) src(%dma_wait3A_268 : memref<512x128xf32, #tpu.memory_space<vmem_shared>>) dst(%dma_wait3A_266 : memref<512x128xf32, #tpu.memory_space<hbm>>)
    %dma_wait3A_269 = arith.constant 0 : i32
    %dma_wait3A_270 = tpu.memref_slice %arg3[%mul3A_132, %dma_wait3A_269] : memref<262144x128xf32, #tpu.memory_space<hbm>> -> memref<512x128xf32, #tpu.memory_space<hbm>>
    %dma_wait3A_271 = arith.constant 0 : i32
    %dma_wait3A_272 = tpu.memref_slice %arg6[%sub3A_128, %dma_wait3A_271] : memref<1024x128xf32, #tpu.memory_space<vmem_shared>> -> memref<512x128xf32, #tpu.memory_space<vmem_shared>>
    tpu.wait_dma2 semaphore(%arg8 : memref<!tpu.dma_semaphore, #tpu.memory_space<semaphore_mem>>) src(%dma_wait3A_272 : memref<512x128xf32, #tpu.memory_space<vmem_shared>>) dst(%dma_wait3A_270 : memref<512x128xf32, #tpu.memory_space<hbm>>)
    %dma_wait3A_273 = arith.constant 0 : i32
    %dma_wait3A_274 = tpu.memref_slice %arg3[%mul3A_144, %dma_wait3A_273] : memref<262144x128xf32, #tpu.memory_space<hbm>> -> memref<512x128xf32, #tpu.memory_space<hbm>>
    %dma_wait3A_275 = arith.constant 0 : i32
    %dma_wait3A_276 = tpu.memref_slice %arg6[%sub3A_140, %dma_wait3A_275] : memref<1024x128xf32, #tpu.memory_space<vmem_shared>> -> memref<512x128xf32, #tpu.memory_space<vmem_shared>>
    tpu.wait_dma2 semaphore(%arg8 : memref<!tpu.dma_semaphore, #tpu.memory_space<semaphore_mem>>) src(%dma_wait3A_276 : memref<512x128xf32, #tpu.memory_space<vmem_shared>>) dst(%dma_wait3A_274 : memref<512x128xf32, #tpu.memory_space<hbm>>)
    %dma_wait3A_277 = arith.constant 0 : i32
    %dma_wait3A_278 = tpu.memref_slice %arg3[%mul3A_156, %dma_wait3A_277] : memref<262144x128xf32, #tpu.memory_space<hbm>> -> memref<512x128xf32, #tpu.memory_space<hbm>>
    %dma_wait3A_279 = arith.constant 0 : i32
    %dma_wait3A_280 = tpu.memref_slice %arg6[%sub3A_152, %dma_wait3A_279] : memref<1024x128xf32, #tpu.memory_space<vmem_shared>> -> memref<512x128xf32, #tpu.memory_space<vmem_shared>>
    tpu.wait_dma2 semaphore(%arg8 : memref<!tpu.dma_semaphore, #tpu.memory_space<semaphore_mem>>) src(%dma_wait3A_280 : memref<512x128xf32, #tpu.memory_space<vmem_shared>>) dst(%dma_wait3A_278 : memref<512x128xf32, #tpu.memory_space<hbm>>)
    %dma_wait3A_281 = arith.constant 0 : i32
    %dma_wait3A_282 = tpu.memref_slice %arg3[%mul3A_168, %dma_wait3A_281] : memref<262144x128xf32, #tpu.memory_space<hbm>> -> memref<512x128xf32, #tpu.memory_space<hbm>>
    %dma_wait3A_283 = arith.constant 0 : i32
    %dma_wait3A_284 = tpu.memref_slice %arg6[%sub3A_164, %dma_wait3A_283] : memref<1024x128xf32, #tpu.memory_space<vmem_shared>> -> memref<512x128xf32, #tpu.memory_space<vmem_shared>>
    tpu.wait_dma2 semaphore(%arg8 : memref<!tpu.dma_semaphore, #tpu.memory_space<semaphore_mem>>) src(%dma_wait3A_284 : memref<512x128xf32, #tpu.memory_space<vmem_shared>>) dst(%dma_wait3A_282 : memref<512x128xf32, #tpu.memory_space<hbm>>)
    %dma_wait3A_285 = arith.constant 0 : i32
    %dma_wait3A_286 = tpu.memref_slice %arg3[%mul3A_180, %dma_wait3A_285] : memref<262144x128xf32, #tpu.memory_space<hbm>> -> memref<512x128xf32, #tpu.memory_space<hbm>>
    %dma_wait3A_287 = arith.constant 0 : i32
    %dma_wait3A_288 = tpu.memref_slice %arg6[%sub3A_176, %dma_wait3A_287] : memref<1024x128xf32, #tpu.memory_space<vmem_shared>> -> memref<512x128xf32, #tpu.memory_space<vmem_shared>>
    tpu.wait_dma2 semaphore(%arg8 : memref<!tpu.dma_semaphore, #tpu.memory_space<semaphore_mem>>) src(%dma_wait3A_288 : memref<512x128xf32, #tpu.memory_space<vmem_shared>>) dst(%dma_wait3A_286 : memref<512x128xf32, #tpu.memory_space<hbm>>)
    %dma_wait3A_289 = arith.constant 0 : i32
    %dma_wait3A_290 = tpu.memref_slice %arg3[%mul3A_192, %dma_wait3A_289] : memref<262144x128xf32, #tpu.memory_space<hbm>> -> memref<512x128xf32, #tpu.memory_space<hbm>>
    %dma_wait3A_291 = arith.constant 0 : i32
    %dma_wait3A_292 = tpu.memref_slice %arg6[%sub3A_188, %dma_wait3A_291] : memref<1024x128xf32, #tpu.memory_space<vmem_shared>> -> memref<512x128xf32, #tpu.memory_space<vmem_shared>>
    tpu.wait_dma2 semaphore(%arg8 : memref<!tpu.dma_semaphore, #tpu.memory_space<semaphore_mem>>) src(%dma_wait3A_292 : memref<512x128xf32, #tpu.memory_space<vmem_shared>>) dst(%dma_wait3A_290 : memref<512x128xf32, #tpu.memory_space<hbm>>)
    %dma_wait3A_293 = arith.constant 0 : i32
    %dma_wait3A_294 = tpu.memref_slice %arg3[%mul3A_204, %dma_wait3A_293] : memref<262144x128xf32, #tpu.memory_space<hbm>> -> memref<512x128xf32, #tpu.memory_space<hbm>>
    %dma_wait3A_295 = arith.constant 0 : i32
    %dma_wait3A_296 = tpu.memref_slice %arg6[%sub3A_200, %dma_wait3A_295] : memref<1024x128xf32, #tpu.memory_space<vmem_shared>> -> memref<512x128xf32, #tpu.memory_space<vmem_shared>>
    tpu.wait_dma2 semaphore(%arg8 : memref<!tpu.dma_semaphore, #tpu.memory_space<semaphore_mem>>) src(%dma_wait3A_296 : memref<512x128xf32, #tpu.memory_space<vmem_shared>>) dst(%dma_wait3A_294 : memref<512x128xf32, #tpu.memory_space<hbm>>)
    %dma_wait3A_297 = arith.constant 0 : i32
    %dma_wait3A_298 = tpu.memref_slice %arg3[%mul3A_216, %dma_wait3A_297] : memref<262144x128xf32, #tpu.memory_space<hbm>> -> memref<512x128xf32, #tpu.memory_space<hbm>>
    %dma_wait3A_299 = arith.constant 0 : i32
    %dma_wait3A_300 = tpu.memref_slice %arg6[%sub3A_212, %dma_wait3A_299] : memref<1024x128xf32, #tpu.memory_space<vmem_shared>> -> memref<512x128xf32, #tpu.memory_space<vmem_shared>>
    tpu.wait_dma2 semaphore(%arg8 : memref<!tpu.dma_semaphore, #tpu.memory_space<semaphore_mem>>) src(%dma_wait3A_300 : memref<512x128xf32, #tpu.memory_space<vmem_shared>>) dst(%dma_wait3A_298 : memref<512x128xf32, #tpu.memory_space<hbm>>)
    %dma_wait3A_301 = arith.constant 0 : i32
    %dma_wait3A_302 = tpu.memref_slice %arg3[%mul3A_228, %dma_wait3A_301] : memref<262144x128xf32, #tpu.memory_space<hbm>> -> memref<512x128xf32, #tpu.memory_space<hbm>>
    %dma_wait3A_303 = arith.constant 0 : i32
    %dma_wait3A_304 = tpu.memref_slice %arg6[%sub3A_224, %dma_wait3A_303] : memref<1024x128xf32, #tpu.memory_space<vmem_shared>> -> memref<512x128xf32, #tpu.memory_space<vmem_shared>>
    tpu.wait_dma2 semaphore(%arg8 : memref<!tpu.dma_semaphore, #tpu.memory_space<semaphore_mem>>) src(%dma_wait3A_304 : memref<512x128xf32, #tpu.memory_space<vmem_shared>>) dst(%dma_wait3A_302 : memref<512x128xf32, #tpu.memory_space<hbm>>)
    %dma_wait3A_305 = arith.constant 0 : i32
    %dma_wait3A_306 = tpu.memref_slice %arg3[%mul3A_240, %dma_wait3A_305] : memref<262144x128xf32, #tpu.memory_space<hbm>> -> memref<512x128xf32, #tpu.memory_space<hbm>>
    %dma_wait3A_307 = arith.constant 0 : i32
    %dma_wait3A_308 = tpu.memref_slice %arg6[%sub3A_236, %dma_wait3A_307] : memref<1024x128xf32, #tpu.memory_space<vmem_shared>> -> memref<512x128xf32, #tpu.memory_space<vmem_shared>>
    tpu.wait_dma2 semaphore(%arg8 : memref<!tpu.dma_semaphore, #tpu.memory_space<semaphore_mem>>) src(%dma_wait3A_308 : memref<512x128xf32, #tpu.memory_space<vmem_shared>>) dst(%dma_wait3A_306 : memref<512x128xf32, #tpu.memory_space<hbm>>)
    return
  }
}

</mosaic_0001>

<sc_bundles>
// kernel: _rel_pos_sc.3.cloned.1.call-start
scs
__scs_entry_jumppad:
0x0: {  	(pc) =	sbr.rel $0x88, $3  }
0x1: {  	(tag) =	ssettag $0x0;
	lr =	simm.s32 $0x1  }
0x2: {  	[smem:$0x3FA0] =	sst lr;
	_ =	strace $0xD0000000  }
0x3: {  	_ = 	snop  }
0x4: {  	_ = 	snop  }
0x5: {  	_ = 	snop  }
0x6: {  	_ = 	snop  }
0x7: {  	_ = 	snop  }
__scs_overlays_trampoline_lowered:
0x8: {  	[smem:$0x3FAF] =	sst s0  }
0x9: {  	[smem:$0x3FB0] =	sst s1  }
0xa: {  	[smem:$0x3FB1] =	sst s2  }
0xb: {  	[smem:$0x3FB2] =	sst s3  }
0xc: {  	[smem:$0x3FB3] =	sst s4  }
0xd: {  	[smem:$0x3FB4] =	sst s5  }
0xe: {  	[smem:$0x3FB5] =	sst s6  }
0xf: {  	[smem:$0x3FB6] =	sst s7  }
0x10: {  	[smem:$0x3FB7] =	sst s8  }
0x11: {  	[smem:$0x3FB8] =	sst s9;
	s0 =	simm.s32 @!p0 $0x0  }
0x12: {  	s1 =	sld [smem:$0x3F9E];
	s0 =	simm.s32 @p0 $0x1  }
0x13: {  	[smem:$0x3FB9] =	sst s0;
	s0 =	simm.s32 @!p1 $0x0  }
0x14: {  	s2 =	sld [smem:$0x3F9D];
	s0 =	simm.s32 @p1 $0x1  }
0x15: {  	[smem:$0x3FBA] =	sst s0;
	s0 =	simm.s32 @!p2 $0x0  }
0x16: {  	s3 =	sld [smem:$0x3FDB];
	s0 =	simm.s32 @p2 $0x1  }
0x17: {  	s4 =	simm.s32 $0x1BF5;
	[smem:$0x3FBC] =	sst s0  }
0x18: {  	s0 =	sld [smem:$0x3F9F];
	_ =	swait.ge [sflag:s4], $0x0  }
0x19: {  	s7 =	sld [smem:$0x3FA0]  }
0x1a: {  	s8 =	sadd.s32 $0xFFFFE003, lr  }
0x1b: {  	s9 =	sadd.s32 $0xFFFFFEF7, lr;
	s5 =	simm.s32 $0xFFFFFFFF;
	p2 =	slt.u32 s8, $0xFFFFF086  }
0x1c: {  	p1 =	slt.u32 s9, $0xF7A;
	s5 =	simm.s32 @!p2 $0x0  }
0x1d: {  	s5 =	simm.s32 @p1 $0x1;
	p0 =	seq.s32 s7, s2  }
0x1e: {  	s7 =	smul.u32 @!p0 $0xF7A, s2;
	p2 =	seq.s32 @!p0 s5, $0x0  }
0x1f: {  	s9 =	smul.u32 $0xF7A, s1;
	s8 =	simm.s32 @!p0 $0x1BF5;
	p2 =	por !p2, p0  }
0x20: {  	[sflag:s8] =	ssyncset.s32 @!p0 $0xFFFFF086;
	s6 =	sadd.s32 @!p0 s3, s7;
	s7 =	simm.s32 @!p0 $0x108  }
0x21: {  	s3 =	sadd.s32 s3, s9;
	s6 =	sadd.s32 @!p0 $0x88, s6;
	s7 =	simm.s32 @p2 $0x1082  }
0x22: {  	[simem:s7], [sflag:s8] =	dma.local @!p0 [hbm:s6], $0xF7A  }
0x23: {  	s9 =	sor.u32 $0xD0000000, s2;
	s6 =	simm.s32 $0x108;
	_ =	swait.ge @!p0 [sflag:s8], $0x0  }
0x24: {  	s3 =	sadd.s32 $0x88, s3;
	s6 =	simm.s32 @!p1 $0x1082;
	[sflag:s4] =	ssyncset.s32 $0xFFFFF086  }
0x25: {  	[simem:s6], [sflag:s4] =	dma.local [hbm:s3], $0xF7A  }
0x26: {  	[smem:$0x3FA0] =	sst s1;
	(tag) =	ssettag s2;
	_ =	strace s9  }
0x27: {  	s1 =	sld [smem:$0x3FB0]  }
0x28: {  	s2 =	sld [smem:$0x3FB1]  }
0x29: {  	s4 =	sld [smem:$0x3FB3]  }
0x2a: {  	p0 =	seq.s32 s5, $0x0;
	s5 =	sld [smem:$0x3FB4]  }
0x2b: {  	s6 =	sld [smem:$0x3FB5]  }
0x2c: {  	s7 =	sld [smem:$0x3FB6]  }
0x2d: {  	s3 =	simm.s32 $0x108;
	s8 =	sld [smem:$0x3FB7]  }
0x2e: {  	s3 =	simm.s32 @!p0 $0x1082;
	s9 =	sld [smem:$0x3FB8]  }
0x2f: {  	lr =	sadd.s32 s0, s3;
	s0 =	sld [smem:$0x3FAF]  }
0x30: {  	s3 =	sld [smem:$0x3FB2]  }
0x31: {  	[smem:$0x3FBB] =	sst s10  }
0x32: {  	s10 =	sld [smem:$0x3FB9];
	_ =	sdelay $0x3  }
0x33: {  	p0 =	seq.s32 s10, $0x1;
	s10 =	sld [smem:$0x3FBB];
	_ =	sdelay $0x3  }
0x34: {  	[smem:$0x3FBB] =	sst s10  }
0x35: {  	s10 =	sld [smem:$0x3FBA];
	_ =	sdelay $0x3  }
0x36: {  	p1 =	seq.s32 s10, $0x1;
	s10 =	sld [smem:$0x3FBB];
	_ =	sdelay $0x3  }
0x37: {  	[smem:$0x3FBB] =	sst s10  }
0x38: {  	s10 =	sld [smem:$0x3FBC]  }
0x39: {  	_ = 	snop;
	(pc) =	sbr.ind lr, $3  }
0x3a: {  	_ = 	snop  }
0x3b: {  	_ = 	snop  }
0x3c: {  	p2 =	seq.s32 s10, $0x1;
	s10 =	sld [smem:$0x3FBB]  }
0x3d: {  	_ =	shalt  }
0x3e: {  	_ =	shalt  }
0x3f: {  	_ =	shalt  }
0x40: {  	_ =	shalt  }
0x41: {  	_ =	shalt  }
0x42: {  	_ =	shalt  }
0x43: {  	_ =	shalt  }
0x44: {  	_ =	shalt  }
0x45: {  	_ =	shalt  }
0x46: {  	_ =	shalt  }
0x47: {  	_ =	shalt  }
0x48: {  	_ =	shalt  }
0x49: {  	_ =	shalt  }
0x4a: {  	_ =	shalt  }
0x4b: {  	_ =	shalt  }
0x4c: {  	_ =	shalt  }
0x4d: {  	_ =	shalt  }
0x4e: {  	_ =	shalt  }
0x4f: {  	_ =	shalt  }
0x50: {  	_ =	shalt  }
0x51: {  	_ =	shalt  }
0x52: {  	_ =	shalt  }
0x53: {  	_ =	shalt  }
0x54: {  	_ =	shalt  }
0x55: {  	_ =	shalt  }
0x56: {  	_ =	shalt  }
0x57: {  	_ =	shalt  }
0x58: {  	_ =	shalt  }
0x59: {  	_ =	shalt  }
0x5a: {  	_ =	shalt  }
0x5b: {  	_ =	shalt  }
0x5c: {  	_ =	shalt  }
0x5d: {  	_ =	shalt  }
0x5e: {  	_ =	shalt  }
0x5f: {  	_ =	shalt  }
0x60: {  	_ =	shalt  }
0x61: {  	_ =	shalt  }
0x62: {  	_ =	shalt  }
0x63: {  	_ =	shalt  }
0x64: {  	_ =	shalt  }
0x65: {  	_ =	shalt  }
0x66: {  	_ =	shalt  }
0x67: {  	_ =	shalt  }
0x68: {  	_ =	shalt  }
0x69: {  	_ =	shalt  }
0x6a: {  	_ =	shalt  }
0x6b: {  	_ =	shalt  }
0x6c: {  	_ =	shalt  }
0x6d: {  	_ =	shalt  }
0x6e: {  	_ =	shalt  }
0x6f: {  	_ =	shalt  }
0x70: {  	_ =	shalt  }
0x71: {  	_ =	shalt  }
0x72: {  	_ =	shalt  }
0x73: {  	_ =	shalt  }
0x74: {  	_ =	shalt  }
0x75: {  	_ =	shalt  }
0x76: {  	_ =	shalt  }
0x77: {  	_ =	shalt  }
0x78: {  	_ =	shalt  }
0x79: {  	_ =	shalt  }
0x7a: {  	_ =	shalt  }
0x7b: {  	_ =	shalt  }
0x7c: {  	_ =	shalt  }
0x7d: {  	_ =	shalt  }
0x7e: {  	_ =	shalt  }
0x7f: {  	_ =	shalt  }
0x80: {  	_ =	shalt  }
0x81: {  	_ =	shalt  }
0x82: {  	_ =	shalt  }
0x83: {  	_ =	shalt  }
0x84: {  	_ =	shalt  }
0x85: {  	_ =	shalt  }
0x86: {  	_ =	shalt  }
0x87: {  	_ =	shalt  }
.Lfunc_end0:
.L_simem_size_0:
called_computation_lowered:
.L_overlay_start_0:
0x88: {  	s2 =	sld [smem:$0x3FD9]  }
0x89: {  	s3 =	sld [smem:$0x3FFE];
	_ =	sdelay $0x1  }
0x8a: {  	s1 =	srdreg.scid  }
0x8b: {  	s0 =	sand.u32 $0x1, s1  }
0x8c: {  	s18 =	sshll.u32 s0, $0xA;
	s2 =	sadd.s32 s3, s2  }
0x8d: {  	s2 =	sadd.s32 s2, s18  }
0x8e: {  	[smem:$0x3FC7] =	sst s2  }
0x8f: {  	_ = 	snop  }
0x90: {  	s2 =	sld [smem:$0x3FC9]  }
0x91: {  	s19 =	sld [smem:$0x3FD0];
	(tm) =	ssettm $0x1  }
0x92: {  	s4 =	sld [smem:$0x3FFB];
	_ =	sdelay $0x3  }
0x93: {  	_ =	strace s4  }
0x94: {  	s4 =	sld [smem:$0x3FFC];
	_ =	sdelay $0x3  }
0x95: {  	_ =	strace s4  }
0x96: {  	s4 =	sld [smem:$0x3FFD];
	_ =	sdelay $0x3  }
0x97: {  	_ =	strace s4  }
0x98: {  	_ =	strace $0x8FFFFFFF  }
0x99: {  	s20 =	sld [smem:$0x3FDB];
	_ =	sdelay $0x1  }
0x9a: {  	s5 =	simm.s32 $_scs_section_size  }
0x9b: {  	s6 =	simm.s32 $_size__tile_overlayer_lowered;
	s7 =	simm.s32 $_tile_overlayer_lowered  }
0x9c: {  	s23 =	simm.s32 $0x1BFF;
	s22 =	sshll.u32 s7, $0x1;
	s4 =	sadd.s32 s5, s20  }
0x9d: {  	s8 =	simm.s32 $0x0;
	s21 =	sshll.u32 s6, $0x1;
	s6 =	sadd.s32 s22, s4  }
0x9e: {  	[timem:s8], [sflag:s23] =	dma.local [hbm:s6], s21  }
0x9f: {  	_ =	swait.ge [sflag:s23], s21  }
0xa0: {  	s5 =	ssub.s32 $0x0, s21;
	[sflag:s23] =	ssyncset.done $0x0  }
0xa1: {  	[sflag:s23] =	ssyncadd.s32 s5;
	_ =	sdelay $0x1  }
0xa2: {  	s24 =	simm.s32 $0x1B8B  }
0xa3: {  	_ =	swait.ge [sflag:s24], $0x1  }
0xa4: {  	[sflag:s24] =	ssyncset.done $0x0  }
0xa5: {  	s25 =	simm.s32 $0x1B8E;
	[sflag:s24] =	ssyncadd.s32 $0xFFFFFFFF  }
0xa6: {  	s26 =	simm.s32 $execute0_lowered;
	[smem:$0x3FD2] =	sst s25  }
0xa7: {  	s5 =	sshll.u32 s26, $0x1;
	_ =	strace $0x80000046;
	[dreg:$0x1] =	wrdreg $0xFFFFFFFF  }
0xa8: {  	s28 =	simm.s32 $_size_execute0_lowered;
	s4 =	sadd.s32 s4, s5;
	[dreg:$0x0] =	wrdreg $0x0  }
0xa9: {  	s5 =	sshll.u32 s28, $0x1;
	[dreg:$0x2] =	wrdreg s4  }
0xaa: {  	[dreg:$0x3] =	wrdreg s5  }
0xab: {  	[dreg:$0x4] =	wrdreg $0xC0  }
0xac: {  	_ =	task [dreg:s8], $0x5FFFF  }
0xad: {  	[dreg:$0x1] =	wrdreg $0xFFFFFFFF  }
0xae: {  	[dreg:$0x0] =	wrdreg $0x60  }
0xaf: {  	[dreg:$0x2] =	wrdreg s2  }
0xb0: {  	[dreg:$0x3] =	wrdreg s19  }
0xb1: {  	[dreg:$0x4] =	wrdreg $0x44000  }
0xb2: {  	[dreg:$0x5] =	wrdreg $0x9  }
0xb3: {  	_ =	task.clear_ibuf [dreg:s8], $0x6FFFF;
	_ =	strace $0x90000046  }
0xb4: {  	s29 =	simm.s32 $0x9;
	_ =	strace $0x80000048  }
0xb5: {  	_ =	swait.ge [sflag:s29], $0x1  }
0xb6: {  	[sflag:s29] =	ssyncadd.s32 $0xFFFFFFFF  }
0xb7: {  	_ =	strace $0x90000048  }
0xb8: {  	_ =	sfence  }
0xb9: {  	s30 =	sld [smem:$0x0];
	_ =	sdelay $0x2  }
0xba: {  	s31 =	sshll.u32 s1, $0xD;
	s1 =	sshrl.u32 s1, $0x2  }
0xbb: {  	s3 =	sand.u32 $0x4000, s31;
	s1 =	sadd.s32 s1, s30  }
0xbc: {  	s0 =	sor.u32 s3, s0;
	s1 =	sshll.u32 s1, $0x11  }
0xbd: {  	s0 =	sor.u32 s1, s0  }
0xbe: {  	s0 =	sadd.s32 $0x8F2B, s0  }
0xbf: {  	[sflag:s0] =	ssyncadd.remote.s32 $0x1  }
0xc0: {  	_ =	sfence.sel $0xFFFF  }
0xc1: {  	[dreg:$0x0] =	wrdreg $0xFFFFFFFF;
	(pc) =	sbr.abs _section_cstart, $3  }
0xc2: {  	[dreg:$0x1] =	wrdreg $0xFFFFFFFF  }
0xc3: {  	_ =	task.clear_ibuf [dreg:s8], $0x2FFFF;
	_ =	strace $0x9FFFFFFF  }
0xc4: {  	(tm) =	ssettm $0x7FFFFFFF  }
0xc5: {  	_ =	shalt  }
tec
execute0_lowered:
.L_overlay_start_1:
0x0: {  	(tag) =	ssettag $0x1  }
0x1: {  	s0 =	rddreg [dreg:$0x1]  }
0x2: {  	s1 =	rddreg [dreg:$0x2]  }
0x3: {  	s2 =	srdreg.scid;
	s3 =	simm.s32 $0x0;
	s5 =	stileid.u32  }
0x4: {  	s2 =	sand.u32 $0x1, s2;
	[smem:$0x7FF] =	sst s3;
	s19 =	sshll.u32 s5, $0x6  }
0x5: {  	s22 =	sshll.u32 s5, $0xD;
	s21 =	ssub.s32 $0x2, s2;
	s2 =	sshll.u32 s2, $0x4  }
0x6: {  	_ =	strace $0x80000047;
	s4 =	sshrl.u32 s21, $0x1;
	s2 =	sor.u32 s5, s2  }
0x7: {  	s5 =	ssub.s32 $0x1FF, s19;
	s3 =	ssub.s32 s21, s4;
	s6 =	sshll.u32 s2, $0xB  }
0x8: {  	s4 =	sadd.s32 s22, s1;
	s2 =	sshll.u32 s2, $0x11;
	s1 =	ssub.s32 s1, s6  }
0x9: {  	[dreg:$0x4] =	wrdreg s4;
	s4 =	sadd.s32 $0x1000, s4;
	s8 =	sadd.s32 s0, s2  }
0xa: {  	s3 =	smax.u32 s3, $0x1;
	[dreg:$0x5] =	wrdreg s4;
	s23 =	sadd.s32 $0xFF80, s1  }
0xb: {  	s24 =	sadd.s32 $0xFF00, s1;
	s25 =	sadd.s32 $0xFE80, s1;
	s6 =	sadd.s32 $0xFE00, s1  }
0xc: {  	s7 =	sadd.s32 $0xFD80, s1;
	s9 =	sadd.s32 $0xFD00, s1;
	s10 =	sadd.s32 $0xFC80, s1  }
0xd: {  	s11 =	sadd.s32 $0xFC00, s1;
	s12 =	sadd.s32 $0xFB80, s1;
	s13 =	sadd.s32 $0xFB00, s1  }
0xe: {  	s14 =	sadd.s32 $0xFA80, s1;
	s15 =	sadd.s32 $0xFA00, s1;
	s16 =	sadd.s32 $0xF980, s1  }
0xf: {  	s17 =	sadd.s32 $0xF900, s1;
	s18 =	sadd.s32 $0xF880, s1;
	s1 =	sadd.s32 $0xF800, s1  }
0x10: {  	[dreg:$0x6] =	wrdreg s3;
	s28 =	sadd.s32 $0x4000, s8;
	s26 =	sshrl.u32 s23, $0x3  }
0x11: {  	s29 =	sadd.s32 $0x6000, s8;
	s0 =	sshrl.u32 s24, $0x3;
	[dreg:$0x7] =	wrdreg s26  }
0x12: {  	s30 =	sadd.s32 $0x8000, s8;
	s4 =	sshrl.u32 s25, $0x3;
	[dreg:$0x8] =	wrdreg s0  }
0x13: {  	s31 =	sadd.s32 $0xA000, s8;
	s6 =	sshrl.u32 s6, $0x3;
	[dreg:$0x9] =	wrdreg s4  }
0x14: {  	s2 =	sadd.s32 $0xE000, s8;
	s20 =	sshrl.u32 s7, $0x3;
	[dreg:$0xa] =	wrdreg s6  }
0x15: {  	s3 =	sadd.s32 $0x12000, s8;
	s21 =	sshrl.u32 s9, $0x3;
	[dreg:$0xb] =	wrdreg s20  }
0x16: {  	s22 =	sshrl.u32 s10, $0x3;
	s23 =	sshrl.u32 s11, $0x3;
	[dreg:$0xc] =	wrdreg s21  }
0x17: {  	s24 =	sshrl.u32 s12, $0x3;
	s25 =	sshrl.u32 s13, $0x3;
	[dreg:$0xd] =	wrdreg s22  }
0x18: {  	s7 =	sadd.s32 $0x14000, s8;
	s9 =	sadd.s32 $0x1A000, s8;
	[dreg:$0xe] =	wrdreg s23  }
0x19: {  	s10 =	sadd.s32 $0x1C000, s8;
	s11 =	sadd.s32 $0x1E000, s8;
	[dreg:$0xf] =	wrdreg s24  }
0x1a: {  	s12 =	ssub.s32 $0x1DF, s19;
	s13 =	simm.s32 $0x1;
	[dreg:$0x10] =	wrdreg s25  }
0x1b: {  	s26 =	sshrl.u32 s14, $0x3;
	s21 =	sshrl.u32 s15, $0x3;
	s22 =	sshrl.u32 s16, $0x3  }
0x1c: {  	s23 =	sshrl.u32 s17, $0x3;
	s24 =	sshrl.u32 s18, $0x3;
	s25 =	sshrl.u32 s1, $0x3  }
0x1d: {  	s0 =	sadd.s32 $0xC000, s8;
	s1 =	sadd.s32 $0x10000, s8;
	s6 =	sadd.s32 $0x16000, s8  }
0x1e: {  	s4 =	sadd.s32 $0x18000, s8;
	s20 =	smov.u32 s19;
	s14 =	simm.s32 $0x2  }
0x1f: {  	s15 =	simm.s32 $0x0;
	[dreg:$0x11] =	wrdreg s26;
	s26 =	sadd.s32 $0x2000, s8  }
.LBB2_1:
0x20: {  	s16 =	rddreg [dreg:$0x0];
	s17 =	simm.s32 $0x0  }
0x21: {  	[tilespmem:s17], [sflag:$0x1] =	stream.linear.gather [hbm4b:s16+s17], $0x2080, $0x38;
	[tilespmem:$0x6400] =	vst v63  }
0x22: {  	s16 =	sadd.s32 $0x0, s5  }
0x23: {  	p0 =	sgt.s32 s16, $0xFFFFFFE0  }
0x24: {  	s16 =	simm.s32 @!p0 $0xFFFFFFE0  }
0x25: {  	p0 =	slt.s32 s16, $0x20  }
0x26: {  	_ =	swait.ge [sflag:s13], $0x2080;
	s16 =	simm.s32 @!p0 $0x20  }
0x27: {  	[sflag:s13] =	ssyncset.done $0x0;
	s16 =	sshll.u32 s16, $0x9  }
0x28: {  	[sflag:s13] =	ssyncadd.s32 $0xFFFFDF80;
	s17 =	sshra.s32 s16, $0x2  }
0x29: {  	v0 =	vld [tilespmem:s17+$0x1000];
	_ =	sdelay $0x3  }
0x2a: {  	s16 =	simm.s32 $0x2440  }
0x2b: {  	[tilespmem:s16+$0xFFFFFFC0] =	vst v0  }
0x2c: {  	v0 =	vld [tilespmem:s17+$0x1010];
	_ =	sdelay $0x4  }
0x2d: {  	[tilespmem:s16+$0xFFFFFFD0] =	vst v0  }
0x2e: {  	v0 =	vld [tilespmem:s17+$0x1020];
	_ =	sdelay $0x4  }
0x2f: {  	[tilespmem:s16+$0xFFFFFFE0] =	vst v0  }
0x30: {  	v0 =	vld [tilespmem:s17+$0x1030];
	_ =	sdelay $0x4  }
0x31: {  	[tilespmem:s16+$0xFFFFFFF0] =	vst v0  }
0x32: {  	v0 =	vld [tilespmem:s17+$0x1040];
	_ =	sdelay $0x4  }
0x33: {  	[tilespmem:s16+$0x0] =	vst v0  }
0x34: {  	v0 =	vld [tilespmem:s17+$0x1050];
	_ =	sdelay $0x4  }
0x35: {  	[tilespmem:s16+$0x10] =	vst v0  }
0x36: {  	v0 =	vld [tilespmem:s17+$0x1060];
	_ =	sdelay $0x4  }
0x37: {  	s19 =	sadd.s32 $0xFFFFFFFF, s5;
	s18 =	simm.s32 $0xFFFFFFFE;
	[tilespmem:s16+$0x20] =	vst v0  }
.LBB2_2:
0x38: {  	p0 =	sne.s32 s18, $0xFFFFFFE1;
	p1 =	sgt.s32 s19, $0xFFFFFFE0;
	v0 =	vld [tilespmem:s17+$0x1070]  }
0x39: {  	s19 =	simm.s32 @!p1 $0xFFFFFFE0  }
0x3a: {  	p1 =	slt.s32 s19, $0x20  }
0x3b: {  	s19 =	simm.s32 @!p1 $0x20  }
0x3c: {  	s17 =	sshll.u32 s19, $0x9  }
0x3d: {  	s17 =	sshra.s32 s17, $0x2;
	[tilespmem:s16+$0x30] =	vst v0  }
0x3e: {  	v0 =	vld [tilespmem:s17+$0x1000];
	_ =	sdelay $0x3  }
0x3f: {  	s16 =	sadd.s32 $0x80, s16  }
0x40: {  	[tilespmem:s16+$0xFFFFFFC0] =	vst v0  }
0x41: {  	v0 =	vld [tilespmem:s17+$0x1010];
	_ =	sdelay $0x4  }
0x42: {  	[tilespmem:s16+$0xFFFFFFD0] =	vst v0  }
0x43: {  	v0 =	vld [tilespmem:s17+$0x1020];
	_ =	sdelay $0x4  }
0x44: {  	[tilespmem:s16+$0xFFFFFFE0] =	vst v0  }
0x45: {  	v0 =	vld [tilespmem:s17+$0x1030];
	_ =	sdelay $0x4  }
0x46: {  	[tilespmem:s16+$0xFFFFFFF0] =	vst v0  }
0x47: {  	v0 =	vld [tilespmem:s17+$0x1040];
	_ =	sdelay $0x4  }
0x48: {  	[tilespmem:s16+$0x0] =	vst v0  }
0x49: {  	v0 =	vld [tilespmem:s17+$0x1050];
	_ =	sdelay $0x4  }
0x4a: {  	[tilespmem:s16+$0x10] =	vst v0  }
0x4b: {  	v0 =	vld [tilespmem:s17+$0x1060]  }
.Ltmp0:
0x4c: {  	(pc) =	sbr.rel @p0 .LBB2_2-.Ltmp0, $2  }
0x4d: {  	_ =	sdelay $0x2  }
0x4e: {  	s19 =	sadd.s32 s18, s5;
	s18 =	sadd.s32 $0xFFFFFFFF, s18;
	[tilespmem:s16+$0x20] =	vst v0  }
0x4f: {  	p0 =	sgt.s32 s19, $0xFFFFFFE0;
	v0 =	vld [tilespmem:s17+$0x1070]  }
0x50: {  	s19 =	simm.s32 @!p0 $0xFFFFFFE0  }
0x51: {  	p0 =	slt.s32 s19, $0x20  }
0x52: {  	s19 =	simm.s32 @!p0 $0x20  }
0x53: {  	s18 =	sshll.u32 s19, $0x9  }
0x54: {  	s17 =	sshra.s32 s18, $0x2;
	[tilespmem:s16+$0x30] =	vst v0  }
0x55: {  	v0 =	vld [tilespmem:s17+$0x1000];
	_ =	sdelay $0x3  }
0x56: {  	s19 =	sadd.s32 $0x80, s16  }
0x57: {  	[tilespmem:s19+$0xFFFFFFC0] =	vst v0  }
0x58: {  	v0 =	vld [tilespmem:s17+$0x1010];
	_ =	sdelay $0x4  }
0x59: {  	[tilespmem:s19+$0xFFFFFFD0] =	vst v0  }
0x5a: {  	v0 =	vld [tilespmem:s17+$0x1020];
	_ =	sdelay $0x4  }
0x5b: {  	[tilespmem:s19+$0xFFFFFFE0] =	vst v0  }
0x5c: {  	v0 =	vld [tilespmem:s17+$0x1030];
	_ =	sdelay $0x4  }
0x5d: {  	[tilespmem:s19+$0xFFFFFFF0] =	vst v0  }
0x5e: {  	v0 =	vld [tilespmem:s17+$0x1040];
	_ =	sdelay $0x4  }
0x5f: {  	[tilespmem:s19+$0x0] =	vst v0  }
0x60: {  	v0 =	vld [tilespmem:s17+$0x1050];
	_ =	sdelay $0x4  }
0x61: {  	[tilespmem:s19+$0x10] =	vst v0  }
0x62: {  	v0 =	vld [tilespmem:s17+$0x1060];
	_ =	sdelay $0x4  }
0x63: {  	s16 =	sadd.s32 $0x0, s12;
	[tilespmem:s19+$0x20] =	vst v0  }
0x64: {  	p0 =	sgt.s32 s16, $0xFFFFFFE0;
	v0 =	vld [tilespmem:s17+$0x1070]  }
0x65: {  	s16 =	simm.s32 @!p0 $0xFFFFFFE0  }
0x66: {  	p0 =	slt.s32 s16, $0x20  }
0x67: {  	s16 =	simm.s32 @!p0 $0x20  }
0x68: {  	s16 =	sshll.u32 s16, $0x9  }
0x69: {  	s18 =	rddreg [dreg:$0x4];
	s17 =	sshra.s32 s16, $0x2;
	[tilespmem:s19+$0x30] =	vst v0;
	s19 =	simm.s32 $0x2400  }
0x6a: {  	[spmem:s18] =	stream.linear.scatter [tilespmem:s19], [sflag:$0x1], $0x1000, $0x38;
	[tilespmem:$0x6400] =	vst v63  }
0x6b: {  	v0 =	vld [tilespmem:s17+$0x1000];
	_ =	sdelay $0x3  }
0x6c: {  	s16 =	simm.s32 $0x3470  }
0x6d: {  	[tilespmem:s16+$0xFFFFFF90] =	vst v0  }
0x6e: {  	v0 =	vld [tilespmem:s17+$0x1010];
	_ =	sdelay $0x4  }
0x6f: {  	[tilespmem:s16+$0xFFFFFFA0] =	vst v0  }
0x70: {  	v0 =	vld [tilespmem:s17+$0x1020];
	_ =	sdelay $0x4  }
0x71: {  	[tilespmem:s16+$0xFFFFFFB0] =	vst v0  }
0x72: {  	v0 =	vld [tilespmem:s17+$0x1030];
	_ =	sdelay $0x4  }
0x73: {  	[tilespmem:s16+$0xFFFFFFC0] =	vst v0  }
0x74: {  	v0 =	vld [tilespmem:s17+$0x1040];
	_ =	sdelay $0x4  }
0x75: {  	[tilespmem:s16+$0xFFFFFFD0] =	vst v0  }
0x76: {  	v0 =	vld [tilespmem:s17+$0x1050];
	_ =	sdelay $0x4  }
0x77: {  	[tilespmem:s16+$0xFFFFFFE0] =	vst v0  }
0x78: {  	v0 =	vld [tilespmem:s17+$0x1060];
	_ =	sdelay $0x4  }
0x79: {  	s19 =	sadd.s32 $0xFFFFFFFF, s12;
	s18 =	simm.s32 $0xFFFFFFFE;
	[tilespmem:s16+$0xFFFFFFF0] =	vst v0  }
.LBB2_4:
0x7a: {  	p0 =	sne.s32 s18, $0xFFFFFFE1;
	p1 =	sgt.s32 s19, $0xFFFFFFE0;
	v0 =	vld [tilespmem:s17+$0x1070]  }
0x7b: {  	s19 =	simm.s32 @!p1 $0xFFFFFFE0  }
0x7c: {  	p1 =	slt.s32 s19, $0x20  }
0x7d: {  	s19 =	simm.s32 @!p1 $0x20  }
0x7e: {  	s17 =	sshll.u32 s19, $0x9  }
0x7f: {  	s17 =	sshra.s32 s17, $0x2;
	[tilespmem:s16+$0x0] =	vst v0  }
0x80: {  	v0 =	vld [tilespmem:s17+$0x1000];
	_ =	sdelay $0x3  }
0x81: {  	s16 =	sadd.s32 $0x80, s16  }
0x82: {  	[tilespmem:s16+$0xFFFFFF90] =	vst v0  }
0x83: {  	v0 =	vld [tilespmem:s17+$0x1010];
	_ =	sdelay $0x4  }
0x84: {  	[tilespmem:s16+$0xFFFFFFA0] =	vst v0  }
0x85: {  	v0 =	vld [tilespmem:s17+$0x1020];
	_ =	sdelay $0x4  }
0x86: {  	[tilespmem:s16+$0xFFFFFFB0] =	vst v0  }
0x87: {  	v0 =	vld [tilespmem:s17+$0x1030];
	_ =	sdelay $0x4  }
0x88: {  	[tilespmem:s16+$0xFFFFFFC0] =	vst v0  }
0x89: {  	v0 =	vld [tilespmem:s17+$0x1040];
	_ =	sdelay $0x4  }
0x8a: {  	[tilespmem:s16+$0xFFFFFFD0] =	vst v0  }
0x8b: {  	v0 =	vld [tilespmem:s17+$0x1050];
	_ =	sdelay $0x4  }
0x8c: {  	[tilespmem:s16+$0xFFFFFFE0] =	vst v0  }
0x8d: {  	v0 =	vld [tilespmem:s17+$0x1060]  }
.Ltmp1:
0x8e: {  	(pc) =	sbr.rel @p0 .LBB2_4-.Ltmp1, $2  }
0x8f: {  	_ =	sdelay $0x2  }
0x90: {  	s19 =	sadd.s32 s18, s12;
	s18 =	sadd.s32 $0xFFFFFFFF, s18;
	[tilespmem:s16+$0xFFFFFFF0] =	vst v0  }
0x91: {  	v0 =	vld [tilespmem:s17+$0x1070];
	p0 =	sgt.s32 s19, $0xFFFFFFE0  }
0x92: {  	s19 =	simm.s32 @!p0 $0xFFFFFFE0  }
0x93: {  	p0 =	slt.s32 s19, $0x20  }
0x94: {  	s19 =	simm.s32 @!p0 $0x20  }
0x95: {  	s18 =	sshll.u32 s19, $0x9  }
0x96: {  	s17 =	sshra.s32 s18, $0x2;
	[tilespmem:s16+$0x0] =	vst v0  }
0x97: {  	v0 =	vld [tilespmem:s17+$0x1000];
	_ =	sdelay $0x3  }
0x98: {  	s19 =	sadd.s32 $0x80, s16  }
0x99: {  	[tilespmem:s19+$0xFFFFFF90] =	vst v0  }
0x9a: {  	v0 =	vld [tilespmem:s17+$0x1010];
	_ =	sdelay $0x4  }
0x9b: {  	[tilespmem:s19+$0xFFFFFFA0] =	vst v0  }
0x9c: {  	v0 =	vld [tilespmem:s17+$0x1020];
	_ =	sdelay $0x4  }
0x9d: {  	[tilespmem:s19+$0xFFFFFFB0] =	vst v0  }
0x9e: {  	v0 =	vld [tilespmem:s17+$0x1030];
	_ =	sdelay $0x4  }
0x9f: {  	[tilespmem:s19+$0xFFFFFFC0] =	vst v0  }
0xa0: {  	v0 =	vld [tilespmem:s17+$0x1040];
	_ =	sdelay $0x4  }
0xa1: {  	[tilespmem:s19+$0xFFFFFFD0] =	vst v0  }
0xa2: {  	v0 =	vld [tilespmem:s17+$0x1050];
	_ =	sdelay $0x4  }
0xa3: {  	[tilespmem:s19+$0xFFFFFFE0] =	vst v0  }
0xa4: {  	v0 =	vld [tilespmem:s17+$0x1060];
	_ =	sdelay $0x4  }
0xa5: {  	[tilespmem:s19+$0xFFFFFFF0] =	vst v0  }
0xa6: {  	v0 =	vld [tilespmem:s17+$0x1070];
	_ =	sdelay $0x4  }
0xa7: {  	s18 =	simm.s32 $0x3400;
	s17 =	rddreg [dreg:$0x5];
	[tilespmem:s19+$0x0] =	vst v0  }
0xa8: {  	[spmem:s17] =	stream.linear.scatter [tilespmem:s18], [sflag:$0x1], $0x1000, $0x38;
	[tilespmem:$0x6400] =	vst v63  }
0xa9: {  	_ =	swait.ge [sflag:s13], $0x1000  }
0xaa: {  	[sflag:s13] =	ssyncset.done $0x0  }
0xab: {  	[sflag:s13] =	ssyncadd.s32 $0xFFFFF000  }
0xac: {  	_ =	swait.ge [sflag:s13], $0x1000  }
0xad: {  	[sflag:s13] =	ssyncset.done $0x0  }
0xae: {  	[sflag:s13] =	ssyncadd.s32 $0xFFFFF000  }
0xaf: {  	[bflag:$0x0] =	sbarrier.arrive $0xFFFF  }
0xb0: {  	s19 =	sor.u32 $0x1C02, s20;
	s18 =	rddreg [dreg:$0x7]  }
0xb1: {  	[hbm:s8], [sflag:s19] =	dma.local [spmem:s18], $0x2000  }
0xb2: {  	s17 =	rddreg [dreg:$0x8]  }
0xb3: {  	[hbm:s26], [sflag:s19] =	dma.local [spmem:s17], $0x2000  }
0xb4: {  	s17 =	rddreg [dreg:$0x9]  }
0xb5: {  	[hbm:s28], [sflag:s19] =	dma.local [spmem:s17], $0x2000  }
0xb6: {  	s17 =	rddreg [dreg:$0xa]  }
0xb7: {  	[hbm:s29], [sflag:s19] =	dma.local [spmem:s17], $0x2000  }
0xb8: {  	s17 =	rddreg [dreg:$0xb]  }
0xb9: {  	[hbm:s30], [sflag:s19] =	dma.local [spmem:s17], $0x2000  }
0xba: {  	s17 =	rddreg [dreg:$0xc]  }
0xbb: {  	[hbm:s31], [sflag:s19] =	dma.local [spmem:s17], $0x2000  }
0xbc: {  	s17 =	rddreg [dreg:$0xd]  }
0xbd: {  	[hbm:s0], [sflag:s19] =	dma.local [spmem:s17], $0x2000  }
0xbe: {  	s17 =	rddreg [dreg:$0xe]  }
0xbf: {  	[hbm:s2], [sflag:s19] =	dma.local [spmem:s17], $0x2000  }
0xc0: {  	s17 =	rddreg [dreg:$0xf]  }
0xc1: {  	[hbm:s1], [sflag:s19] =	dma.local [spmem:s17], $0x2000  }
0xc2: {  	s17 =	rddreg [dreg:$0x10]  }
0xc3: {  	[hbm:s3], [sflag:s19] =	dma.local [spmem:s17], $0x2000  }
0xc4: {  	s17 =	rddreg [dreg:$0x11]  }
0xc5: {  	[hbm:s7], [sflag:s19] =	dma.local [spmem:s17], $0x2000  }
0xc6: {  	[hbm:s6], [sflag:s19] =	dma.local [spmem:s21], $0x2000  }
0xc7: {  	[hbm:s4], [sflag:s19] =	dma.local [spmem:s22], $0x2000  }
0xc8: {  	[hbm:s9], [sflag:s19] =	dma.local [spmem:s23], $0x2000  }
0xc9: {  	[hbm:s10], [sflag:s19] =	dma.local [spmem:s24], $0x2000  }
0xca: {  	[hbm:s11], [sflag:s19] =	dma.local [spmem:s25], $0x2000  }
0xcb: {  	_ =	swait.ge [sflag:s14], $0x2000  }
0xcc: {  	[sflag:s14] =	ssyncset.done $0x0  }
0xcd: {  	[sflag:s14] =	ssyncadd.s32 $0xFFFFE000  }
0xce: {  	_ =	swait.ge [sflag:s14], $0x2000  }
0xcf: {  	[sflag:s14] =	ssyncset.done $0x0  }
0xd0: {  	[sflag:s14] =	ssyncadd.s32 $0xFFFFE000  }
0xd1: {  	_ =	swait.ge [sflag:s14], $0x2000  }
0xd2: {  	[sflag:s14] =	ssyncset.done $0x0  }
0xd3: {  	[sflag:s14] =	ssyncadd.s32 $0xFFFFE000  }
0xd4: {  	_ =	swait.ge [sflag:s14], $0x2000  }
0xd5: {  	[sflag:s14] =	ssyncset.done $0x0  }
0xd6: {  	[sflag:s14] =	ssyncadd.s32 $0xFFFFE000  }
0xd7: {  	_ =	swait.ge [sflag:s14], $0x2000  }
0xd8: {  	[sflag:s14] =	ssyncset.done $0x0  }
0xd9: {  	[sflag:s14] =	ssyncadd.s32 $0xFFFFE000  }
0xda: {  	_ =	swait.ge [sflag:s14], $0x2000  }
0xdb: {  	[sflag:s14] =	ssyncset.done $0x0  }
0xdc: {  	[sflag:s14] =	ssyncadd.s32 $0xFFFFE000  }
0xdd: {  	_ =	swait.ge [sflag:s14], $0x2000  }
0xde: {  	[sflag:s14] =	ssyncset.done $0x0  }
0xdf: {  	[sflag:s14] =	ssyncadd.s32 $0xFFFFE000  }
0xe0: {  	_ =	swait.ge [sflag:s14], $0x2000  }
0xe1: {  	[sflag:s14] =	ssyncset.done $0x0  }
0xe2: {  	[sflag:s14] =	ssyncadd.s32 $0xFFFFE000  }
0xe3: {  	_ =	swait.ge [sflag:s14], $0x2000  }
0xe4: {  	[sflag:s14] =	ssyncset.done $0x0  }
0xe5: {  	[sflag:s14] =	ssyncadd.s32 $0xFFFFE000  }
0xe6: {  	_ =	swait.ge [sflag:s14], $0x2000  }
0xe7: {  	[sflag:s14] =	ssyncset.done $0x0  }
0xe8: {  	[sflag:s14] =	ssyncadd.s32 $0xFFFFE000  }
0xe9: {  	_ =	swait.ge [sflag:s14], $0x2000  }
0xea: {  	[sflag:s14] =	ssyncset.done $0x0  }
0xeb: {  	[sflag:s14] =	ssyncadd.s32 $0xFFFFE000  }
0xec: {  	_ =	swait.ge [sflag:s14], $0x2000  }
0xed: {  	[sflag:s14] =	ssyncset.done $0x0  }
0xee: {  	[sflag:s14] =	ssyncadd.s32 $0xFFFFE000  }
0xef: {  	_ =	swait.ge [sflag:s14], $0x2000  }
0xf0: {  	[sflag:s14] =	ssyncset.done $0x0  }
0xf1: {  	[sflag:s14] =	ssyncadd.s32 $0xFFFFE000  }
0xf2: {  	_ =	swait.ge [sflag:s14], $0x2000  }
0xf3: {  	[sflag:s14] =	ssyncset.done $0x0  }
0xf4: {  	[sflag:s14] =	ssyncadd.s32 $0xFFFFE000  }
0xf5: {  	_ =	swait.ge [sflag:s14], $0x2000  }
0xf6: {  	[sflag:s14] =	ssyncset.done $0x0  }
0xf7: {  	[sflag:s14] =	ssyncadd.s32 $0xFFFFE000  }
0xf8: {  	_ =	swait.ge [sflag:s14], $0x2000  }
0xf9: {  	s15 =	sadd.s32 $0x1, s15;
	s19 =	rddreg [dreg:$0x6]  }
0xfa: {  	p0 =	sne.s32 s15, s19  }
.Ltmp2:
0xfb: {  	_ = 	snop;
	(pc) =	sbr.rel @p0 .LBB2_1-.Ltmp2, $3  }
0xfc: {  	_ =	sdelay $0x1  }
0xfd: {  	[sflag:s14] =	ssyncset.done $0x0  }
0xfe: {  	[sflag:s14] =	ssyncadd.s32 $0xFFFFE000  }
0xff: {  	_ =	sfence.sel $0x180000  }
0x100: {  	[bflag:$0x0] =	sbarrier.arrive $0xFFFF  }
0x101: {  	_ =	strace $0x90000047  }
0x102: {  	s0 =	stileid.u32;
	[bflag:$0x2] =	sbarrier.arrive $0xFFFF  }
0x103: {  	p0 =	sne.s32 s0, $0x0;
	s0 =	rddreg [dreg:$0x3]  }
0x104: {  	s0 =	sadd.s32 @!p0 $0x100000, s0  }
0x105: {  	[sflag:s0] =	ssyncadd.tile.s32 @!p0 $0x1;
	_ =	shalt  }
.Lfunc_end2:
_tile_overlayer_lowered:
.L_overlay_start_2:
0x106: {  	(tag) =	ssettag $0x2  }
0x107: {  	s0 =	rddreg [dreg:$0x0];
	s2 =	stileid.u32  }
0x108: {  	s1 =	rddreg [dreg:$0x1];
	p0 =	sne.s32 s2, $0x0  }
0x109: {  	s3 =	rddreg [dreg:$0x2];
	[bflag:$0x3] =	sbarrier.arrive $0xFFFF;
	s2 =	simm.s32 @!p0 $0x1C03  }
0x10a: {  	[timem:s3], [sflag:s2] =	dma.local @!p0 [hbm:s0], s1  }
0x10b: {  	s0 =	simm.s32 @!p0 $0x3  }
0x10c: {  	_ =	swait.ge @!p0 [sflag:s0], s1  }
0x10d: {  	s1 =	ssub.s32 @!p0 $0x0, s1;
	[sflag:s0] =	ssyncset.done @!p0 $0x0  }
0x10e: {  	[sflag:s0] =	ssyncadd.s32 @!p0 s1  }
0x10f: {  	[bflag:$0x3] =	sbarrier.arrive $0xFFFF  }
0x110: {  	_ =	shalt  }

</sc_bundles>
